<compile_context>
chip_gen: v7x
topology: tpu7x:2x2x1
jax: 0.10.2.dev20260603
libtpu: 0.0.44.dev20260713+nightly
codegen_flags: <defaults>
</compile_context>

<pallas_src>
import functools
import math

import jax
import jax.numpy as jnp
from jax import lax
from jax.experimental import pallas as pl
from jax.experimental.pallas import tpu as pltpu
from jax.experimental.pallas import tpu_sc as plsc

_INPUT_SIZE = 1000
_OUTPUT_SIZE = 64
_BATCH = 1024
_SCALE = 1.0 / math.sqrt(float(_INPUT_SIZE))

_NC = 2
_NS = 16
_NW = _NC * _NS
_SC_ROWS = 64
_TC_ROWS = _BATCH - _SC_ROWS
_ROWS_PER_W = _SC_ROWS // _NW
_BB = _ROWS_PER_W
_OG = _OUTPUT_SIZE // 16
_TC_BLOCK_B = 480


def _tc_block(x_ref, w_ref, o_ref):
    o_ref[...] = (
        jnp.dot(x_ref[...], w_ref[...], preferred_element_type=jnp.float32)
        * _SCALE
        + 1.0
    )


def _sc_body(x_hbm, w2_hbm, out_hbm, w_v, x_v, o_v):
    wid = lax.axis_index("s") * _NC + lax.axis_index("c")
    base = wid * _ROWS_PER_W
    pltpu.sync_copy(w2_hbm, w_v)
    pltpu.sync_copy(x_hbm.at[pl.ds(base, _ROWS_PER_W)], x_v)

    n_full = _INPUT_SIZE // 16

    for bb in range(_ROWS_PER_W // _BB):
        init = tuple(jnp.zeros((16,), jnp.float32) for _ in range(_BB * _OG))

        @plsc.parallel_loop(0, n_full, 1, unroll=4, carry=init)
        def accs(c, accs):
            new = list(accs)
            xv = [x_v[bb * _BB + b, pl.ds(c * 16, 16)] for b in range(_BB)]
            for jj in range(8):
                for half in range(2):
                    j = jj * 2 + half
                    w = [
                        w_v[c * 8 + jj, pl.ds(half * 64 + og * 16, 16)]
                        for og in range(_OG)
                    ]
                    for b in range(_BB):
                        xs = xv[b][j]
                        for og in range(_OG):
                            new[b * _OG + og] = new[b * _OG + og] + xs * w[og]
            return tuple(new)

        accs = list(accs)
        t0 = _INPUT_SIZE - 16
        xv = [x_v[bb * _BB + b, pl.ds(t0, 16)] for b in range(_BB)]
        for j in range(8, 16):
            i = t0 + j
            w = [
                w_v[i // 2, pl.ds((i % 2) * 64 + og * 16, 16)]
                for og in range(_OG)
            ]
            for b in range(_BB):
                xs = xv[b][j]
                for og in range(_OG):
                    accs[b * _OG + og] = accs[b * _OG + og] + xs * w[og]
        for b in range(_BB):
            for og in range(_OG):
                o_v[bb * _BB + b, pl.ds(og * 16, 16)] = (
                    accs[b * _OG + og] * _SCALE + 1.0
                )

    pltpu.sync_copy(o_v, out_hbm.at[pl.ds(base, _ROWS_PER_W)])


def kernel(x, W):
    out_tc = pl.pallas_call(
        _tc_block,
        grid=(_TC_ROWS // _TC_BLOCK_B,),
        in_specs=[
            pl.BlockSpec((_TC_BLOCK_B, _INPUT_SIZE), lambda i: (i, 0)),
            pl.BlockSpec((_INPUT_SIZE, _OUTPUT_SIZE), lambda i: (0, 0)),
        ],
        out_specs=pl.BlockSpec((_TC_BLOCK_B, _OUTPUT_SIZE), lambda i: (i, 0)),
        out_shape=jax.ShapeDtypeStruct((_TC_ROWS, _OUTPUT_SIZE), jnp.float32),
    )(x[:_TC_ROWS], W)

    mesh = plsc.VectorSubcoreMesh(core_axis_name="c", subcore_axis_name="s")
    sc_k = functools.partial(
        pl.kernel,
        mesh=mesh,
        out_type=jax.ShapeDtypeStruct((_SC_ROWS, _OUTPUT_SIZE), jnp.float32),
        scratch_types=[
            pltpu.VMEM((_INPUT_SIZE // 2, 2 * _OUTPUT_SIZE), jnp.float32),
            pltpu.VMEM((_ROWS_PER_W, _INPUT_SIZE), jnp.float32),
            pltpu.VMEM((_ROWS_PER_W, _OUTPUT_SIZE), jnp.float32),
        ],
    )(_sc_body)
    out_sc = sc_k(
        x[_TC_ROWS:], W.reshape(_INPUT_SIZE // 2, 2 * _OUTPUT_SIZE)
    )
    return jnp.concatenate([out_tc, out_sc], axis=0)

# --- scband reference (transcript-rebuilt; emitter-appended) ---
"""Pipeline reference for scband-mapper-net-61572651155743 (READ-ONLY COPY).

The authoritative reference and input builder live on the scoring server;
editing this copy changes nothing except your own understanding.
"""

import jax, jax.numpy as jnp
import numpy as np

INPUT_SIZE = 1000
OUTPUT_SIZE = 64
STD = 1.0
BATCH = 1024


def _orthogonal_init(key, rows, cols):
    # Mimic torch.nn.init.orthogonal_ for a (rows, cols) matrix with rows >= cols:
    # QR of a gaussian, sign-corrected by diag(R).
    a = jax.random.normal(key, (rows, cols), dtype=jnp.float32)
    q, r = jnp.linalg.qr(a)
    d = jnp.sign(jnp.diagonal(r))
    d = jnp.where(d == 0, 1.0, d)
    q = q * d[None, :]
    return q


def setup_inputs(seed: int = 0) -> dict:
    key = jax.random.key(seed)
    kx, kw = jax.random.split(key)
    x = jax.random.normal(kx, (BATCH, INPUT_SIZE), dtype=jnp.float32)
    W = _orthogonal_init(kw, INPUT_SIZE, OUTPUT_SIZE)
    # per-row std normalization (unbiased, like torch.std) then scale by STD
    row_std = jnp.std(W, axis=1, keepdims=True, ddof=1)
    W = W / row_std * STD
    return {"x": x, "W": W}


def reference(x, W):
    pos_idx = jnp.arange(INPUT_SIZE, dtype=jnp.int64 if jax.config.jax_enable_x64 else jnp.int32)
    encoded = jnp.take(W, pos_idx, axis=0)  # embedding lookup [INPUT_SIZE, OUTPUT_SIZE]
    encoded = encoded[None, :, :] * x[:, :, None]  # [B, INPUT_SIZE, OUTPUT_SIZE]
    encoded = encoded.sum(axis=1) / jnp.sqrt(jnp.float32(INPUT_SIZE)) + 1.0
    return encoded

if __name__ == "__main__":
    import jax
    _d = setup_inputs()
    print(jax.jit(kernel)(*tuple(_d.values())))

</pallas_src>

<mosaic_0001>
#map = affine_map<(d0, d1) -> (0, 0)>
module attributes {stable_mosaic.version = 14 : i64} {
  func.func @_sc_body(%arg0: i32, %arg1: i32, %arg2: memref<64x1000xf32, #tpu.memory_space<hbm>>, %arg3: memref<500x128xf32, #tpu.memory_space<hbm>>, %arg4: memref<64x64xf32, #tpu.memory_space<hbm>>, %arg5: memref<500x128xf32, #tpu.memory_space<vmem>>, %arg6: memref<2x1000xf32, #tpu.memory_space<vmem>>, %arg7: memref<2x64xf32, #tpu.memory_space<vmem>>) attributes {dimension_semantics = [#tpu.dimension_semantics<core_parallel>, #tpu.dimension_semantics<subcore_parallel>], iteration_bounds = array<i64: 2, 16>, scalar_prefetch = 0 : i64, scratch_operands = 3 : i64, tpu.core_type = #tpu.core_type<sc_vector_subcore>, window_params = [{transform_indices = #map}, {transform_indices = #map}, {transform_indices = #map}]} {
    %mul3A = arith.constant 2 : i32
    %mul3A_0 = arith.muli %arg1, %mul3A : i32
    %add3A = arith.addi %mul3A_0, %arg0 : i32
    %mul3A_1 = arith.constant 2 : i32
    %mul3A_2 = arith.muli %add3A, %mul3A_1 : i32
    "tpu.region"() ({
      %run_scoped3A = tpu.sem_alloc : memref<!tpu.dma_semaphore, #tpu.memory_space<semaphore_mem>>
      tpu.enqueue_dma source(%arg3 : memref<500x128xf32, #tpu.memory_space<hbm>>) target(%arg5 : memref<500x128xf32, #tpu.memory_space<vmem>>) target_semaphore(%run_scoped3A : memref<!tpu.dma_semaphore, #tpu.memory_space<semaphore_mem>>)
      tpu.wait_dma2 semaphore(%run_scoped3A : memref<!tpu.dma_semaphore, #tpu.memory_space<semaphore_mem>>) src(%arg3 : memref<500x128xf32, #tpu.memory_space<hbm>>) dst(%arg5 : memref<500x128xf32, #tpu.memory_space<vmem>>)
      tpu.yield
    }) : () -> ()
    "tpu.region"() ({
      %run_scoped3A = tpu.sem_alloc : memref<!tpu.dma_semaphore, #tpu.memory_space<semaphore_mem>>
      %dma_start3A = arith.constant 0 : i32
      %dma_start3A_507 = tpu.memref_slice %arg2[%mul3A_2, %dma_start3A] : memref<64x1000xf32, #tpu.memory_space<hbm>> -> memref<2x1000xf32, #tpu.memory_space<hbm>>
      %dma_start3A_508 = arith.constant 0 : i32
      %dma_start3A_509 = tpu.memref_slice %arg2[%mul3A_2, %dma_start3A_508] : memref<64x1000xf32, #tpu.memory_space<hbm>> -> memref<2x1000xf32, #tpu.memory_space<hbm>>
      tpu.enqueue_dma source(%dma_start3A_509 : memref<2x1000xf32, #tpu.memory_space<hbm>>) target(%arg6 : memref<2x1000xf32, #tpu.memory_space<vmem>>) target_semaphore(%run_scoped3A : memref<!tpu.dma_semaphore, #tpu.memory_space<semaphore_mem>>)
      %dma_wait3A = arith.constant 0 : i32
      %dma_wait3A_510 = tpu.memref_slice %arg2[%mul3A_2, %dma_wait3A] : memref<64x1000xf32, #tpu.memory_space<hbm>> -> memref<2x1000xf32, #tpu.memory_space<hbm>>
      %dma_wait3A_511 = arith.constant 0 : i32
      %dma_wait3A_512 = tpu.memref_slice %arg2[%mul3A_2, %dma_wait3A_511] : memref<64x1000xf32, #tpu.memory_space<hbm>> -> memref<2x1000xf32, #tpu.memory_space<hbm>>
      tpu.wait_dma2 semaphore(%run_scoped3A : memref<!tpu.dma_semaphore, #tpu.memory_space<semaphore_mem>>) src(%dma_wait3A_512 : memref<2x1000xf32, #tpu.memory_space<hbm>>) dst(%arg6 : memref<2x1000xf32, #tpu.memory_space<vmem>>)
      tpu.yield
    }) : () -> ()
    %broadcast_in_dim3A = arith.constant 0.000000e+00 : f32
    %broadcast_in_dim3A_3 = vector.broadcast %broadcast_in_dim3A : f32 to vector<16xf32>
    %broadcast_in_dim3A_4 = arith.constant 0.000000e+00 : f32
    %broadcast_in_dim3A_5 = vector.broadcast %broadcast_in_dim3A_4 : f32 to vector<16xf32>
    %broadcast_in_dim3A_6 = arith.constant 0.000000e+00 : f32
    %broadcast_in_dim3A_7 = vector.broadcast %broadcast_in_dim3A_6 : f32 to vector<16xf32>
    %broadcast_in_dim3A_8 = arith.constant 0.000000e+00 : f32
    %broadcast_in_dim3A_9 = vector.broadcast %broadcast_in_dim3A_8 : f32 to vector<16xf32>
    %broadcast_in_dim3A_10 = arith.constant 0.000000e+00 : f32
    %broadcast_in_dim3A_11 = vector.broadcast %broadcast_in_dim3A_10 : f32 to vector<16xf32>
    %broadcast_in_dim3A_12 = arith.constant 0.000000e+00 : f32
    %broadcast_in_dim3A_13 = vector.broadcast %broadcast_in_dim3A_12 : f32 to vector<16xf32>
    %broadcast_in_dim3A_14 = arith.constant 0.000000e+00 : f32
    %broadcast_in_dim3A_15 = vector.broadcast %broadcast_in_dim3A_14 : f32 to vector<16xf32>
    %broadcast_in_dim3A_16 = arith.constant 0.000000e+00 : f32
    %broadcast_in_dim3A_17 = vector.broadcast %broadcast_in_dim3A_16 : f32 to vector<16xf32>
    %parallel_loop3A = arith.constant 0 : i32
    %parallel_loop3A_18 = arith.constant 62 : i32
    %parallel_loop3A_19 = arith.constant 1 : i32
    %parallel_loop3A_20:8 = scf.for %parallel_loop3A_507 = %parallel_loop3A to %parallel_loop3A_18 step %parallel_loop3A_19 iter_args(%parallel_loop3A_508 = %broadcast_in_dim3A_3, %parallel_loop3A_509 = %broadcast_in_dim3A_5, %parallel_loop3A_510 = %broadcast_in_dim3A_7, %parallel_loop3A_511 = %broadcast_in_dim3A_9, %parallel_loop3A_512 = %broadcast_in_dim3A_11, %parallel_loop3A_513 = %broadcast_in_dim3A_13, %parallel_loop3A_514 = %broadcast_in_dim3A_15, %parallel_loop3A_515 = %broadcast_in_dim3A_17) -> (vector<16xf32>, vector<16xf32>, vector<16xf32>, vector<16xf32>, vector<16xf32>, vector<16xf32>, vector<16xf32>, vector<16xf32>)  : i32 {
      %parallel_loop3A_516 = arith.constant 16 : i32
      %parallel_loop3A_517 = arith.muli %parallel_loop3A_507, %parallel_loop3A_516 : i32
      %parallel_loop3A_518 = arith.constant 0 : i32
      %parallel_loop3A_519 = arith.index_cast %parallel_loop3A_518 : i32 to index
      %parallel_loop3A_520 = arith.index_cast %parallel_loop3A_517 : i32 to index
      %parallel_loop3A_521 = tpu.vector_load %arg6[%parallel_loop3A_519, %parallel_loop3A_520] {strides = array<i32>} : memref<2x1000xf32, #tpu.memory_space<vmem>>, vector<1x16xf32>,
      %parallel_loop3A_522 = vector.shape_cast %parallel_loop3A_521 : vector<1x16xf32> to vector<16xf32>
      %parallel_loop3A_523 = arith.constant 16 : i32
      %parallel_loop3A_524 = arith.muli %parallel_loop3A_507, %parallel_loop3A_523 : i32
      %parallel_loop3A_525 = arith.constant 1 : i32
      %parallel_loop3A_526 = arith.index_cast %parallel_loop3A_525 : i32 to index
      %parallel_loop3A_527 = arith.index_cast %parallel_loop3A_524 : i32 to index
      %parallel_loop3A_528 = tpu.vector_load %arg6[%parallel_loop3A_526, %parallel_loop3A_527] {strides = array<i32>} : memref<2x1000xf32, #tpu.memory_space<vmem>>, vector<1x16xf32>,
      %parallel_loop3A_529 = vector.shape_cast %parallel_loop3A_528 : vector<1x16xf32> to vector<16xf32>
      %parallel_loop3A_530 = arith.constant 8 : i32
      %parallel_loop3A_531 = arith.muli %parallel_loop3A_507, %parallel_loop3A_530 : i32
      %parallel_loop3A_532 = arith.constant 0 : i32
      %parallel_loop3A_533 = arith.addi %parallel_loop3A_531, %parallel_loop3A_532 : i32
      %parallel_loop3A_534 = arith.index_cast %parallel_loop3A_533 : i32 to index
      %parallel_loop3A_535 = arith.constant 0 : index
      %parallel_loop3A_536 = tpu.vector_load %arg5[%parallel_loop3A_534, %parallel_loop3A_535] {strides = array<i32>} : memref<500x128xf32, #tpu.memory_space<vmem>>, vector<1x16xf32>,
      %parallel_loop3A_537 = vector.shape_cast %parallel_loop3A_536 : vector<1x16xf32> to vector<16xf32>
      %parallel_loop3A_538 = arith.constant 8 : i32
      %parallel_loop3A_539 = arith.muli %parallel_loop3A_507, %parallel_loop3A_538 : i32
      %parallel_loop3A_540 = arith.constant 0 : i32
      %parallel_loop3A_541 = arith.addi %parallel_loop3A_539, %parallel_loop3A_540 : i32
      %parallel_loop3A_542 = arith.index_cast %parallel_loop3A_541 : i32 to index
      %parallel_loop3A_543 = arith.constant 16 : index
      %parallel_loop3A_544 = tpu.vector_load %arg5[%parallel_loop3A_542, %parallel_loop3A_543] {strides = array<i32>} : memref<500x128xf32, #tpu.memory_space<vmem>>, vector<1x16xf32>,
      %parallel_loop3A_545 = vector.shape_cast %parallel_loop3A_544 : vector<1x16xf32> to vector<16xf32>
      %parallel_loop3A_546 = arith.constant 8 : i32
      %parallel_loop3A_547 = arith.muli %parallel_loop3A_507, %parallel_loop3A_546 : i32
      %parallel_loop3A_548 = arith.constant 0 : i32
      %parallel_loop3A_549 = arith.addi %parallel_loop3A_547, %parallel_loop3A_548 : i32
      %parallel_loop3A_550 = arith.index_cast %parallel_loop3A_549 : i32 to index
      %parallel_loop3A_551 = arith.constant 32 : index
      %parallel_loop3A_552 = tpu.vector_load %arg5[%parallel_loop3A_550, %parallel_loop3A_551] {strides = array<i32>} : memref<500x128xf32, #tpu.memory_space<vmem>>, vector<1x16xf32>,
      %parallel_loop3A_553 = vector.shape_cast %parallel_loop3A_552 : vector<1x16xf32> to vector<16xf32>
      %parallel_loop3A_554 = arith.constant 8 : i32
      %parallel_loop3A_555 = arith.muli %parallel_loop3A_507, %parallel_loop3A_554 : i32
      %parallel_loop3A_556 = arith.constant 0 : i32
      %parallel_loop3A_557 = arith.addi %parallel_loop3A_555, %parallel_loop3A_556 : i32
      %parallel_loop3A_558 = arith.index_cast %parallel_loop3A_557 : i32 to index
      %parallel_loop3A_559 = arith.constant 48 : index
      %parallel_loop3A_560 = tpu.vector_load %arg5[%parallel_loop3A_558, %parallel_loop3A_559] {strides = array<i32>} : memref<500x128xf32, #tpu.memory_space<vmem>>, vector<1x16xf32>,
      %parallel_loop3A_561 = vector.shape_cast %parallel_loop3A_560 : vector<1x16xf32> to vector<16xf32>
      %parallel_loop3A_562 = vector.extract_strided_slice %parallel_loop3A_522 {offsets = [0], sizes = [1], strides = [1]} : vector<16xf32> to vector<1xf32>
      %parallel_loop3A_563 = vector.extract %parallel_loop3A_562[0] : f32 from vector<1xf32>
      %parallel_loop3A_564 = vector.broadcast %parallel_loop3A_563 : f32 to vector<16xf32>
      %parallel_loop3A_565 = arith.mulf %parallel_loop3A_564, %parallel_loop3A_537 : vector<16xf32>
      %parallel_loop3A_566 = arith.addf %parallel_loop3A_508, %parallel_loop3A_565 : vector<16xf32>
      %parallel_loop3A_567 = vector.broadcast %parallel_loop3A_563 : f32 to vector<16xf32>
      %parallel_loop3A_568 = arith.mulf %parallel_loop3A_567, %parallel_loop3A_545 : vector<16xf32>
      %parallel_loop3A_569 = arith.addf %parallel_loop3A_509, %parallel_loop3A_568 : vector<16xf32>
      %parallel_loop3A_570 = vector.broadcast %parallel_loop3A_563 : f32 to vector<16xf32>
      %parallel_loop3A_571 = arith.mulf %parallel_loop3A_570, %parallel_loop3A_553 : vector<16xf32>
      %parallel_loop3A_572 = arith.addf %parallel_loop3A_510, %parallel_loop3A_571 : vector<16xf32>
      %parallel_loop3A_573 = vector.broadcast %parallel_loop3A_563 : f32 to vector<16xf32>
      %parallel_loop3A_574 = arith.mulf %parallel_loop3A_573, %parallel_loop3A_561 : vector<16xf32>
      %parallel_loop3A_575 = arith.addf %parallel_loop3A_511, %parallel_loop3A_574 : vector<16xf32>
      %parallel_loop3A_576 = vector.extract_strided_slice %parallel_loop3A_529 {offsets = [0], sizes = [1], strides = [1]} : vector<16xf32> to vector<1xf32>
      %parallel_loop3A_577 = vector.extract %parallel_loop3A_576[0] : f32 from vector<1xf32>
      %parallel_loop3A_578 = vector.broadcast %parallel_loop3A_577 : f32 to vector<16xf32>
      %parallel_loop3A_579 = arith.mulf %parallel_loop3A_578, %parallel_loop3A_537 : vector<16xf32>
      %parallel_loop3A_580 = arith.addf %parallel_loop3A_512, %parallel_loop3A_579 : vector<16xf32>
      %parallel_loop3A_581 = vector.broadcast %parallel_loop3A_577 : f32 to vector<16xf32>
      %parallel_loop3A_582 = arith.mulf %parallel_loop3A_581, %parallel_loop3A_545 : vector<16xf32>
      %parallel_loop3A_583 = arith.addf %parallel_loop3A_513, %parallel_loop3A_582 : vector<16xf32>
      %parallel_loop3A_584 = vector.broadcast %parallel_loop3A_577 : f32 to vector<16xf32>
      %parallel_loop3A_585 = arith.mulf %parallel_loop3A_584, %parallel_loop3A_553 : vector<16xf32>
      %parallel_loop3A_586 = arith.addf %parallel_loop3A_514, %parallel_loop3A_585 : vector<16xf32>
      %parallel_loop3A_587 = vector.broadcast %parallel_loop3A_577 : f32 to vector<16xf32>
      %parallel_loop3A_588 = arith.mulf %parallel_loop3A_587, %parallel_loop3A_561 : vector<16xf32>
      %parallel_loop3A_589 = arith.addf %parallel_loop3A_515, %parallel_loop3A_588 : vector<16xf32>
      %parallel_loop3A_590 = arith.constant 8 : i32
      %parallel_loop3A_591 = arith.muli %parallel_loop3A_507, %parallel_loop3A_590 : i32
      %parallel_loop3A_592 = arith.constant 0 : i32
      %parallel_loop3A_593 = arith.addi %parallel_loop3A_591, %parallel_loop3A_592 : i32
      %parallel_loop3A_594 = arith.index_cast %parallel_loop3A_593 : i32 to index
      %parallel_loop3A_595 = arith.constant 64 : index
      %parallel_loop3A_596 = tpu.vector_load %arg5[%parallel_loop3A_594, %parallel_loop3A_595] {strides = array<i32>} : memref<500x128xf32, #tpu.memory_space<vmem>>, vector<1x16xf32>,
      %parallel_loop3A_597 = vector.shape_cast %parallel_loop3A_596 : vector<1x16xf32> to vector<16xf32>
      %parallel_loop3A_598 = arith.constant 8 : i32
      %parallel_loop3A_599 = arith.muli %parallel_loop3A_507, %parallel_loop3A_598 : i32
      %parallel_loop3A_600 = arith.constant 0 : i32
      %parallel_loop3A_601 = arith.addi %parallel_loop3A_599, %parallel_loop3A_600 : i32
      %parallel_loop3A_602 = arith.index_cast %parallel_loop3A_601 : i32 to index
      %parallel_loop3A_603 = arith.constant 80 : index
      %parallel_loop3A_604 = tpu.vector_load %arg5[%parallel_loop3A_602, %parallel_loop3A_603] {strides = array<i32>} : memref<500x128xf32, #tpu.memory_space<vmem>>, vector<1x16xf32>,
      %parallel_loop3A_605 = vector.shape_cast %parallel_loop3A_604 : vector<1x16xf32> to vector<16xf32>
      %parallel_loop3A_606 = arith.constant 8 : i32
      %parallel_loop3A_607 = arith.muli %parallel_loop3A_507, %parallel_loop3A_606 : i32
      %parallel_loop3A_608 = arith.constant 0 : i32
      %parallel_loop3A_609 = arith.addi %parallel_loop3A_607, %parallel_loop3A_608 : i32
      %parallel_loop3A_610 = arith.index_cast %parallel_loop3A_609 : i32 to index
      %parallel_loop3A_611 = arith.constant 96 : index
      %parallel_loop3A_612 = tpu.vector_load %arg5[%parallel_loop3A_610, %parallel_loop3A_611] {strides = array<i32>} : memref<500x128xf32, #tpu.memory_space<vmem>>, vector<1x16xf32>,
      %parallel_loop3A_613 = vector.shape_cast %parallel_loop3A_612 : vector<1x16xf32> to vector<16xf32>
      %parallel_loop3A_614 = arith.constant 8 : i32
      %parallel_loop3A_615 = arith.muli %parallel_loop3A_507, %parallel_loop3A_614 : i32
      %parallel_loop3A_616 = arith.constant 0 : i32
      %parallel_loop3A_617 = arith.addi %parallel_loop3A_615, %parallel_loop3A_616 : i32
      %parallel_loop3A_618 = arith.index_cast %parallel_loop3A_617 : i32 to index
      %parallel_loop3A_619 = arith.constant 112 : index
      %parallel_loop3A_620 = tpu.vector_load %arg5[%parallel_loop3A_618, %parallel_loop3A_619] {strides = array<i32>} : memref<500x128xf32, #tpu.memory_space<vmem>>, vector<1x16xf32>,
      %parallel_loop3A_621 = vector.shape_cast %parallel_loop3A_620 : vector<1x16xf32> to vector<16xf32>
      %parallel_loop3A_622 = vector.extract_strided_slice %parallel_loop3A_522 {offsets = [1], sizes = [1], strides = [1]} : vector<16xf32> to vector<1xf32>
      %parallel_loop3A_623 = vector.extract %parallel_loop3A_622[0] : f32 from vector<1xf32>
      %parallel_loop3A_624 = vector.broadcast %parallel_loop3A_623 : f32 to vector<16xf32>
      %parallel_loop3A_625 = arith.mulf %parallel_loop3A_624, %parallel_loop3A_597 : vector<16xf32>
      %parallel_loop3A_626 = arith.addf %parallel_loop3A_566, %parallel_loop3A_625 : vector<16xf32>
      %parallel_loop3A_627 = vector.broadcast %parallel_loop3A_623 : f32 to vector<16xf32>
      %parallel_loop3A_628 = arith.mulf %parallel_loop3A_627, %parallel_loop3A_605 : vector<16xf32>
      %parallel_loop3A_629 = arith.addf %parallel_loop3A_569, %parallel_loop3A_628 : vector<16xf32>
      %parallel_loop3A_630 = vector.broadcast %parallel_loop3A_623 : f32 to vector<16xf32>
      %parallel_loop3A_631 = arith.mulf %parallel_loop3A_630, %parallel_loop3A_613 : vector<16xf32>
      %parallel_loop3A_632 = arith.addf %parallel_loop3A_572, %parallel_loop3A_631 : vector<16xf32>
      %parallel_loop3A_633 = vector.broadcast %parallel_loop3A_623 : f32 to vector<16xf32>
      %parallel_loop3A_634 = arith.mulf %parallel_loop3A_633, %parallel_loop3A_621 : vector<16xf32>
      %parallel_loop3A_635 = arith.addf %parallel_loop3A_575, %parallel_loop3A_634 : vector<16xf32>
      %parallel_loop3A_636 = vector.extract_strided_slice %parallel_loop3A_529 {offsets = [1], sizes = [1], strides = [1]} : vector<16xf32> to vector<1xf32>
      %parallel_loop3A_637 = vector.extract %parallel_loop3A_636[0] : f32 from vector<1xf32>
      %parallel_loop3A_638 = vector.broadcast %parallel_loop3A_637 : f32 to vector<16xf32>
      %parallel_loop3A_639 = arith.mulf %parallel_loop3A_638, %parallel_loop3A_597 : vector<16xf32>
      %parallel_loop3A_640 = arith.addf %parallel_loop3A_580, %parallel_loop3A_639 : vector<16xf32>
      %parallel_loop3A_641 = vector.broadcast %parallel_loop3A_637 : f32 to vector<16xf32>
      %parallel_loop3A_642 = arith.mulf %parallel_loop3A_641, %parallel_loop3A_605 : vector<16xf32>
      %parallel_loop3A_643 = arith.addf %parallel_loop3A_583, %parallel_loop3A_642 : vector<16xf32>
      %parallel_loop3A_644 = vector.broadcast %parallel_loop3A_637 : f32 to vector<16xf32>
      %parallel_loop3A_645 = arith.mulf %parallel_loop3A_644, %parallel_loop3A_613 : vector<16xf32>
      %parallel_loop3A_646 = arith.addf %parallel_loop3A_586, %parallel_loop3A_645 : vector<16xf32>
      %parallel_loop3A_647 = vector.broadcast %parallel_loop3A_637 : f32 to vector<16xf32>
      %parallel_loop3A_648 = arith.mulf %parallel_loop3A_647, %parallel_loop3A_621 : vector<16xf32>
      %parallel_loop3A_649 = arith.addf %parallel_loop3A_589, %parallel_loop3A_648 : vector<16xf32>
      %parallel_loop3A_650 = arith.constant 8 : i32
      %parallel_loop3A_651 = arith.muli %parallel_loop3A_507, %parallel_loop3A_650 : i32
      %parallel_loop3A_652 = arith.constant 1 : i32
      %parallel_loop3A_653 = arith.addi %parallel_loop3A_651, %parallel_loop3A_652 : i32
      %parallel_loop3A_654 = arith.index_cast %parallel_loop3A_653 : i32 to index
      %parallel_loop3A_655 = arith.constant 0 : index
      %parallel_loop3A_656 = tpu.vector_load %arg5[%parallel_loop3A_654, %parallel_loop3A_655] {strides = array<i32>} : memref<500x128xf32, #tpu.memory_space<vmem>>, vector<1x16xf32>,
      %parallel_loop3A_657 = vector.shape_cast %parallel_loop3A_656 : vector<1x16xf32> to vector<16xf32>
      %parallel_loop3A_658 = arith.constant 8 : i32
      %parallel_loop3A_659 = arith.muli %parallel_loop3A_507, %parallel_loop3A_658 : i32
      %parallel_loop3A_660 = arith.constant 1 : i32
      %parallel_loop3A_661 = arith.addi %parallel_loop3A_659, %parallel_loop3A_660 : i32
      %parallel_loop3A_662 = arith.index_cast %parallel_loop3A_661 : i32 to index
      %parallel_loop3A_663 = arith.constant 16 : index
      %parallel_loop3A_664 = tpu.vector_load %arg5[%parallel_loop3A_662, %parallel_loop3A_663] {strides = array<i32>} : memref<500x128xf32, #tpu.memory_space<vmem>>, vector<1x16xf32>,
      %parallel_loop3A_665 = vector.shape_cast %parallel_loop3A_664 : vector<1x16xf32> to vector<16xf32>
      %parallel_loop3A_666 = arith.constant 8 : i32
      %parallel_loop3A_667 = arith.muli %parallel_loop3A_507, %parallel_loop3A_666 : i32
      %parallel_loop3A_668 = arith.constant 1 : i32
      %parallel_loop3A_669 = arith.addi %parallel_loop3A_667, %parallel_loop3A_668 : i32
      %parallel_loop3A_670 = arith.index_cast %parallel_loop3A_669 : i32 to index
      %parallel_loop3A_671 = arith.constant 32 : index
      %parallel_loop3A_672 = tpu.vector_load %arg5[%parallel_loop3A_670, %parallel_loop3A_671] {strides = array<i32>} : memref<500x128xf32, #tpu.memory_space<vmem>>, vector<1x16xf32>,
      %parallel_loop3A_673 = vector.shape_cast %parallel_loop3A_672 : vector<1x16xf32> to vector<16xf32>
      %parallel_loop3A_674 = arith.constant 8 : i32
      %parallel_loop3A_675 = arith.muli %parallel_loop3A_507, %parallel_loop3A_674 : i32
      %parallel_loop3A_676 = arith.constant 1 : i32
      %parallel_loop3A_677 = arith.addi %parallel_loop3A_675, %parallel_loop3A_676 : i32
      %parallel_loop3A_678 = arith.index_cast %parallel_loop3A_677 : i32 to index
      %parallel_loop3A_679 = arith.constant 48 : index
      %parallel_loop3A_680 = tpu.vector_load %arg5[%parallel_loop3A_678, %parallel_loop3A_679] {strides = array<i32>} : memref<500x128xf32, #tpu.memory_space<vmem>>, vector<1x16xf32>,
      %parallel_loop3A_681 = vector.shape_cast %parallel_loop3A_680 : vector<1x16xf32> to vector<16xf32>
      %parallel_loop3A_682 = vector.extract_strided_slice %parallel_loop3A_522 {offsets = [2], sizes = [1], strides = [1]} : vector<16xf32> to vector<1xf32>
      %parallel_loop3A_683 = vector.extract %parallel_loop3A_682[0] : f32 from vector<1xf32>
      %parallel_loop3A_684 = vector.broadcast %parallel_loop3A_683 : f32 to vector<16xf32>
      %parallel_loop3A_685 = arith.mulf %parallel_loop3A_684, %parallel_loop3A_657 : vector<16xf32>
      %parallel_loop3A_686 = arith.addf %parallel_loop3A_626, %parallel_loop3A_685 : vector<16xf32>
      %parallel_loop3A_687 = vector.broadcast %parallel_loop3A_683 : f32 to vector<16xf32>
      %parallel_loop3A_688 = arith.mulf %parallel_loop3A_687, %parallel_loop3A_665 : vector<16xf32>
      %parallel_loop3A_689 = arith.addf %parallel_loop3A_629, %parallel_loop3A_688 : vector<16xf32>
      %parallel_loop3A_690 = vector.broadcast %parallel_loop3A_683 : f32 to vector<16xf32>
      %parallel_loop3A_691 = arith.mulf %parallel_loop3A_690, %parallel_loop3A_673 : vector<16xf32>
      %parallel_loop3A_692 = arith.addf %parallel_loop3A_632, %parallel_loop3A_691 : vector<16xf32>
      %parallel_loop3A_693 = vector.broadcast %parallel_loop3A_683 : f32 to vector<16xf32>
      %parallel_loop3A_694 = arith.mulf %parallel_loop3A_693, %parallel_loop3A_681 : vector<16xf32>
      %parallel_loop3A_695 = arith.addf %parallel_loop3A_635, %parallel_loop3A_694 : vector<16xf32>
      %parallel_loop3A_696 = vector.extract_strided_slice %parallel_loop3A_529 {offsets = [2], sizes = [1], strides = [1]} : vector<16xf32> to vector<1xf32>
      %parallel_loop3A_697 = vector.extract %parallel_loop3A_696[0] : f32 from vector<1xf32>
      %parallel_loop3A_698 = vector.broadcast %parallel_loop3A_697 : f32 to vector<16xf32>
      %parallel_loop3A_699 = arith.mulf %parallel_loop3A_698, %parallel_loop3A_657 : vector<16xf32>
      %parallel_loop3A_700 = arith.addf %parallel_loop3A_640, %parallel_loop3A_699 : vector<16xf32>
      %parallel_loop3A_701 = vector.broadcast %parallel_loop3A_697 : f32 to vector<16xf32>
      %parallel_loop3A_702 = arith.mulf %parallel_loop3A_701, %parallel_loop3A_665 : vector<16xf32>
      %parallel_loop3A_703 = arith.addf %parallel_loop3A_643, %parallel_loop3A_702 : vector<16xf32>
      %parallel_loop3A_704 = vector.broadcast %parallel_loop3A_697 : f32 to vector<16xf32>
      %parallel_loop3A_705 = arith.mulf %parallel_loop3A_704, %parallel_loop3A_673 : vector<16xf32>
      %parallel_loop3A_706 = arith.addf %parallel_loop3A_646, %parallel_loop3A_705 : vector<16xf32>
      %parallel_loop3A_707 = vector.broadcast %parallel_loop3A_697 : f32 to vector<16xf32>
      %parallel_loop3A_708 = arith.mulf %parallel_loop3A_707, %parallel_loop3A_681 : vector<16xf32>
      %parallel_loop3A_709 = arith.addf %parallel_loop3A_649, %parallel_loop3A_708 : vector<16xf32>
      %parallel_loop3A_710 = arith.constant 8 : i32
      %parallel_loop3A_711 = arith.muli %parallel_loop3A_507, %parallel_loop3A_710 : i32
      %parallel_loop3A_712 = arith.constant 1 : i32
      %parallel_loop3A_713 = arith.addi %parallel_loop3A_711, %parallel_loop3A_712 : i32
      %parallel_loop3A_714 = arith.index_cast %parallel_loop3A_713 : i32 to index
      %parallel_loop3A_715 = arith.constant 64 : index
      %parallel_loop3A_716 = tpu.vector_load %arg5[%parallel_loop3A_714, %parallel_loop3A_715] {strides = array<i32>} : memref<500x128xf32, #tpu.memory_space<vmem>>, vector<1x16xf32>,
      %parallel_loop3A_717 = vector.shape_cast %parallel_loop3A_716 : vector<1x16xf32> to vector<16xf32>
      %parallel_loop3A_718 = arith.constant 8 : i32
      %parallel_loop3A_719 = arith.muli %parallel_loop3A_507, %parallel_loop3A_718 : i32
      %parallel_loop3A_720 = arith.constant 1 : i32
      %parallel_loop3A_721 = arith.addi %parallel_loop3A_719, %parallel_loop3A_720 : i32
      %parallel_loop3A_722 = arith.index_cast %parallel_loop3A_721 : i32 to index
      %parallel_loop3A_723 = arith.constant 80 : index
      %parallel_loop3A_724 = tpu.vector_load %arg5[%parallel_loop3A_722, %parallel_loop3A_723] {strides = array<i32>} : memref<500x128xf32, #tpu.memory_space<vmem>>, vector<1x16xf32>,
      %parallel_loop3A_725 = vector.shape_cast %parallel_loop3A_724 : vector<1x16xf32> to vector<16xf32>
      %parallel_loop3A_726 = arith.constant 8 : i32
      %parallel_loop3A_727 = arith.muli %parallel_loop3A_507, %parallel_loop3A_726 : i32
      %parallel_loop3A_728 = arith.constant 1 : i32
      %parallel_loop3A_729 = arith.addi %parallel_loop3A_727, %parallel_loop3A_728 : i32
      %parallel_loop3A_730 = arith.index_cast %parallel_loop3A_729 : i32 to index
      %parallel_loop3A_731 = arith.constant 96 : index
      %parallel_loop3A_732 = tpu.vector_load %arg5[%parallel_loop3A_730, %parallel_loop3A_731] {strides = array<i32>} : memref<500x128xf32, #tpu.memory_space<vmem>>, vector<1x16xf32>,
      %parallel_loop3A_733 = vector.shape_cast %parallel_loop3A_732 : vector<1x16xf32> to vector<16xf32>
      %parallel_loop3A_734 = arith.constant 8 : i32
      %parallel_loop3A_735 = arith.muli %parallel_loop3A_507, %parallel_loop3A_734 : i32
      %parallel_loop3A_736 = arith.constant 1 : i32
      %parallel_loop3A_737 = arith.addi %parallel_loop3A_735, %parallel_loop3A_736 : i32
      %parallel_loop3A_738 = arith.index_cast %parallel_loop3A_737 : i32 to index
      %parallel_loop3A_739 = arith.constant 112 : index
      %parallel_loop3A_740 = tpu.vector_load %arg5[%parallel_loop3A_738, %parallel_loop3A_739] {strides = array<i32>} : memref<500x128xf32, #tpu.memory_space<vmem>>, vector<1x16xf32>,
      %parallel_loop3A_741 = vector.shape_cast %parallel_loop3A_740 : vector<1x16xf32> to vector<16xf32>
      %parallel_loop3A_742 = vector.extract_strided_slice %parallel_loop3A_522 {offsets = [3], sizes = [1], strides = [1]} : vector<16xf32> to vector<1xf32>
      %parallel_loop3A_743 = vector.extract %parallel_loop3A_742[0] : f32 from vector<1xf32>
      %parallel_loop3A_744 = vector.broadcast %parallel_loop3A_743 : f32 to vector<16xf32>
      %parallel_loop3A_745 = arith.mulf %parallel_loop3A_744, %parallel_loop3A_717 : vector<16xf32>
      %parallel_loop3A_746 = arith.addf %parallel_loop3A_686, %parallel_loop3A_745 : vector<16xf32>
      %parallel_loop3A_747 = vector.broadcast %parallel_loop3A_743 : f32 to vector<16xf32>
      %parallel_loop3A_748 = arith.mulf %parallel_loop3A_747, %parallel_loop3A_725 : vector<16xf32>
      %parallel_loop3A_749 = arith.addf %parallel_loop3A_689, %parallel_loop3A_748 : vector<16xf32>
      %parallel_loop3A_750 = vector.broadcast %parallel_loop3A_743 : f32 to vector<16xf32>
      %parallel_loop3A_751 = arith.mulf %parallel_loop3A_750, %parallel_loop3A_733 : vector<16xf32>
      %parallel_loop3A_752 = arith.addf %parallel_loop3A_692, %parallel_loop3A_751 : vector<16xf32>
      %parallel_loop3A_753 = vector.broadcast %parallel_loop3A_743 : f32 to vector<16xf32>
      %parallel_loop3A_754 = arith.mulf %parallel_loop3A_753, %parallel_loop3A_741 : vector<16xf32>
      %parallel_loop3A_755 = arith.addf %parallel_loop3A_695, %parallel_loop3A_754 : vector<16xf32>
      %parallel_loop3A_756 = vector.extract_strided_slice %parallel_loop3A_529 {offsets = [3], sizes = [1], strides = [1]} : vector<16xf32> to vector<1xf32>
      %parallel_loop3A_757 = vector.extract %parallel_loop3A_756[0] : f32 from vector<1xf32>
      %parallel_loop3A_758 = vector.broadcast %parallel_loop3A_757 : f32 to vector<16xf32>
      %parallel_loop3A_759 = arith.mulf %parallel_loop3A_758, %parallel_loop3A_717 : vector<16xf32>
      %parallel_loop3A_760 = arith.addf %parallel_loop3A_700, %parallel_loop3A_759 : vector<16xf32>
      %parallel_loop3A_761 = vector.broadcast %parallel_loop3A_757 : f32 to vector<16xf32>
      %parallel_loop3A_762 = arith.mulf %parallel_loop3A_761, %parallel_loop3A_725 : vector<16xf32>
      %parallel_loop3A_763 = arith.addf %parallel_loop3A_703, %parallel_loop3A_762 : vector<16xf32>
      %parallel_loop3A_764 = vector.broadcast %parallel_loop3A_757 : f32 to vector<16xf32>
      %parallel_loop3A_765 = arith.mulf %parallel_loop3A_764, %parallel_loop3A_733 : vector<16xf32>
      %parallel_loop3A_766 = arith.addf %parallel_loop3A_706, %parallel_loop3A_765 : vector<16xf32>
      %parallel_loop3A_767 = vector.broadcast %parallel_loop3A_757 : f32 to vector<16xf32>
      %parallel_loop3A_768 = arith.mulf %parallel_loop3A_767, %parallel_loop3A_741 : vector<16xf32>
      %parallel_loop3A_769 = arith.addf %parallel_loop3A_709, %parallel_loop3A_768 : vector<16xf32>
      %parallel_loop3A_770 = arith.constant 8 : i32
      %parallel_loop3A_771 = arith.muli %parallel_loop3A_507, %parallel_loop3A_770 : i32
      %parallel_loop3A_772 = arith.constant 2 : i32
      %parallel_loop3A_773 = arith.addi %parallel_loop3A_771, %parallel_loop3A_772 : i32
      %parallel_loop3A_774 = arith.index_cast %parallel_loop3A_773 : i32 to index
      %parallel_loop3A_775 = arith.constant 0 : index
      %parallel_loop3A_776 = tpu.vector_load %arg5[%parallel_loop3A_774, %parallel_loop3A_775] {strides = array<i32>} : memref<500x128xf32, #tpu.memory_space<vmem>>, vector<1x16xf32>,
      %parallel_loop3A_777 = vector.shape_cast %parallel_loop3A_776 : vector<1x16xf32> to vector<16xf32>
      %parallel_loop3A_778 = arith.constant 8 : i32
      %parallel_loop3A_779 = arith.muli %parallel_loop3A_507, %parallel_loop3A_778 : i32
      %parallel_loop3A_780 = arith.constant 2 : i32
      %parallel_loop3A_781 = arith.addi %parallel_loop3A_779, %parallel_loop3A_780 : i32
      %parallel_loop3A_782 = arith.index_cast %parallel_loop3A_781 : i32 to index
      %parallel_loop3A_783 = arith.constant 16 : index
      %parallel_loop3A_784 = tpu.vector_load %arg5[%parallel_loop3A_782, %parallel_loop3A_783] {strides = array<i32>} : memref<500x128xf32, #tpu.memory_space<vmem>>, vector<1x16xf32>,
      %parallel_loop3A_785 = vector.shape_cast %parallel_loop3A_784 : vector<1x16xf32> to vector<16xf32>
      %parallel_loop3A_786 = arith.constant 8 : i32
      %parallel_loop3A_787 = arith.muli %parallel_loop3A_507, %parallel_loop3A_786 : i32
      %parallel_loop3A_788 = arith.constant 2 : i32
      %parallel_loop3A_789 = arith.addi %parallel_loop3A_787, %parallel_loop3A_788 : i32
      %parallel_loop3A_790 = arith.index_cast %parallel_loop3A_789 : i32 to index
      %parallel_loop3A_791 = arith.constant 32 : index
      %parallel_loop3A_792 = tpu.vector_load %arg5[%parallel_loop3A_790, %parallel_loop3A_791] {strides = array<i32>} : memref<500x128xf32, #tpu.memory_space<vmem>>, vector<1x16xf32>,
      %parallel_loop3A_793 = vector.shape_cast %parallel_loop3A_792 : vector<1x16xf32> to vector<16xf32>
      %parallel_loop3A_794 = arith.constant 8 : i32
      %parallel_loop3A_795 = arith.muli %parallel_loop3A_507, %parallel_loop3A_794 : i32
      %parallel_loop3A_796 = arith.constant 2 : i32
      %parallel_loop3A_797 = arith.addi %parallel_loop3A_795, %parallel_loop3A_796 : i32
      %parallel_loop3A_798 = arith.index_cast %parallel_loop3A_797 : i32 to index
      %parallel_loop3A_799 = arith.constant 48 : index
      %parallel_loop3A_800 = tpu.vector_load %arg5[%parallel_loop3A_798, %parallel_loop3A_799] {strides = array<i32>} : memref<500x128xf32, #tpu.memory_space<vmem>>, vector<1x16xf32>,
      %parallel_loop3A_801 = vector.shape_cast %parallel_loop3A_800 : vector<1x16xf32> to vector<16xf32>
      %parallel_loop3A_802 = vector.extract_strided_slice %parallel_loop3A_522 {offsets = [4], sizes = [1], strides = [1]} : vector<16xf32> to vector<1xf32>
      %parallel_loop3A_803 = vector.extract %parallel_loop3A_802[0] : f32 from vector<1xf32>
      %parallel_loop3A_804 = vector.broadcast %parallel_loop3A_803 : f32 to vector<16xf32>
      %parallel_loop3A_805 = arith.mulf %parallel_loop3A_804, %parallel_loop3A_777 : vector<16xf32>
      %parallel_loop3A_806 = arith.addf %parallel_loop3A_746, %parallel_loop3A_805 : vector<16xf32>
      %parallel_loop3A_807 = vector.broadcast %parallel_loop3A_803 : f32 to vector<16xf32>
      %parallel_loop3A_808 = arith.mulf %parallel_loop3A_807, %parallel_loop3A_785 : vector<16xf32>
      %parallel_loop3A_809 = arith.addf %parallel_loop3A_749, %parallel_loop3A_808 : vector<16xf32>
      %parallel_loop3A_810 = vector.broadcast %parallel_loop3A_803 : f32 to vector<16xf32>
      %parallel_loop3A_811 = arith.mulf %parallel_loop3A_810, %parallel_loop3A_793 : vector<16xf32>
      %parallel_loop3A_812 = arith.addf %parallel_loop3A_752, %parallel_loop3A_811 : vector<16xf32>
      %parallel_loop3A_813 = vector.broadcast %parallel_loop3A_803 : f32 to vector<16xf32>
      %parallel_loop3A_814 = arith.mulf %parallel_loop3A_813, %parallel_loop3A_801 : vector<16xf32>
      %parallel_loop3A_815 = arith.addf %parallel_loop3A_755, %parallel_loop3A_814 : vector<16xf32>
      %parallel_loop3A_816 = vector.extract_strided_slice %parallel_loop3A_529 {offsets = [4], sizes = [1], strides = [1]} : vector<16xf32> to vector<1xf32>
      %parallel_loop3A_817 = vector.extract %parallel_loop3A_816[0] : f32 from vector<1xf32>
      %parallel_loop3A_818 = vector.broadcast %parallel_loop3A_817 : f32 to vector<16xf32>
      %parallel_loop3A_819 = arith.mulf %parallel_loop3A_818, %parallel_loop3A_777 : vector<16xf32>
      %parallel_loop3A_820 = arith.addf %parallel_loop3A_760, %parallel_loop3A_819 : vector<16xf32>
      %parallel_loop3A_821 = vector.broadcast %parallel_loop3A_817 : f32 to vector<16xf32>
      %parallel_loop3A_822 = arith.mulf %parallel_loop3A_821, %parallel_loop3A_785 : vector<16xf32>
      %parallel_loop3A_823 = arith.addf %parallel_loop3A_763, %parallel_loop3A_822 : vector<16xf32>
      %parallel_loop3A_824 = vector.broadcast %parallel_loop3A_817 : f32 to vector<16xf32>
      %parallel_loop3A_825 = arith.mulf %parallel_loop3A_824, %parallel_loop3A_793 : vector<16xf32>
      %parallel_loop3A_826 = arith.addf %parallel_loop3A_766, %parallel_loop3A_825 : vector<16xf32>
      %parallel_loop3A_827 = vector.broadcast %parallel_loop3A_817 : f32 to vector<16xf32>
      %parallel_loop3A_828 = arith.mulf %parallel_loop3A_827, %parallel_loop3A_801 : vector<16xf32>
      %parallel_loop3A_829 = arith.addf %parallel_loop3A_769, %parallel_loop3A_828 : vector<16xf32>
      %parallel_loop3A_830 = arith.constant 8 : i32
      %parallel_loop3A_831 = arith.muli %parallel_loop3A_507, %parallel_loop3A_830 : i32
      %parallel_loop3A_832 = arith.constant 2 : i32
      %parallel_loop3A_833 = arith.addi %parallel_loop3A_831, %parallel_loop3A_832 : i32
      %parallel_loop3A_834 = arith.index_cast %parallel_loop3A_833 : i32 to index
      %parallel_loop3A_835 = arith.constant 64 : index
      %parallel_loop3A_836 = tpu.vector_load %arg5[%parallel_loop3A_834, %parallel_loop3A_835] {strides = array<i32>} : memref<500x128xf32, #tpu.memory_space<vmem>>, vector<1x16xf32>,
      %parallel_loop3A_837 = vector.shape_cast %parallel_loop3A_836 : vector<1x16xf32> to vector<16xf32>
      %parallel_loop3A_838 = arith.constant 8 : i32
      %parallel_loop3A_839 = arith.muli %parallel_loop3A_507, %parallel_loop3A_838 : i32
      %parallel_loop3A_840 = arith.constant 2 : i32
      %parallel_loop3A_841 = arith.addi %parallel_loop3A_839, %parallel_loop3A_840 : i32
      %parallel_loop3A_842 = arith.index_cast %parallel_loop3A_841 : i32 to index
      %parallel_loop3A_843 = arith.constant 80 : index
      %parallel_loop3A_844 = tpu.vector_load %arg5[%parallel_loop3A_842, %parallel_loop3A_843] {strides = array<i32>} : memref<500x128xf32, #tpu.memory_space<vmem>>, vector<1x16xf32>,
      %parallel_loop3A_845 = vector.shape_cast %parallel_loop3A_844 : vector<1x16xf32> to vector<16xf32>
      %parallel_loop3A_846 = arith.constant 8 : i32
      %parallel_loop3A_847 = arith.muli %parallel_loop3A_507, %parallel_loop3A_846 : i32
      %parallel_loop3A_848 = arith.constant 2 : i32
      %parallel_loop3A_849 = arith.addi %parallel_loop3A_847, %parallel_loop3A_848 : i32
      %parallel_loop3A_850 = arith.index_cast %parallel_loop3A_849 : i32 to index
      %parallel_loop3A_851 = arith.constant 96 : index
      %parallel_loop3A_852 = tpu.vector_load %arg5[%parallel_loop3A_850, %parallel_loop3A_851] {strides = array<i32>} : memref<500x128xf32, #tpu.memory_space<vmem>>, vector<1x16xf32>,
      %parallel_loop3A_853 = vector.shape_cast %parallel_loop3A_852 : vector<1x16xf32> to vector<16xf32>
      %parallel_loop3A_854 = arith.constant 8 : i32
      %parallel_loop3A_855 = arith.muli %parallel_loop3A_507, %parallel_loop3A_854 : i32
      %parallel_loop3A_856 = arith.constant 2 : i32
      %parallel_loop3A_857 = arith.addi %parallel_loop3A_855, %parallel_loop3A_856 : i32
      %parallel_loop3A_858 = arith.index_cast %parallel_loop3A_857 : i32 to index
      %parallel_loop3A_859 = arith.constant 112 : index
      %parallel_loop3A_860 = tpu.vector_load %arg5[%parallel_loop3A_858, %parallel_loop3A_859] {strides = array<i32>} : memref<500x128xf32, #tpu.memory_space<vmem>>, vector<1x16xf32>,
      %parallel_loop3A_861 = vector.shape_cast %parallel_loop3A_860 : vector<1x16xf32> to vector<16xf32>
      %parallel_loop3A_862 = vector.extract_strided_slice %parallel_loop3A_522 {offsets = [5], sizes = [1], strides = [1]} : vector<16xf32> to vector<1xf32>
      %parallel_loop3A_863 = vector.extract %parallel_loop3A_862[0] : f32 from vector<1xf32>
      %parallel_loop3A_864 = vector.broadcast %parallel_loop3A_863 : f32 to vector<16xf32>
      %parallel_loop3A_865 = arith.mulf %parallel_loop3A_864, %parallel_loop3A_837 : vector<16xf32>
      %parallel_loop3A_866 = arith.addf %parallel_loop3A_806, %parallel_loop3A_865 : vector<16xf32>
      %parallel_loop3A_867 = vector.broadcast %parallel_loop3A_863 : f32 to vector<16xf32>
      %parallel_loop3A_868 = arith.mulf %parallel_loop3A_867, %parallel_loop3A_845 : vector<16xf32>
      %parallel_loop3A_869 = arith.addf %parallel_loop3A_809, %parallel_loop3A_868 : vector<16xf32>
      %parallel_loop3A_870 = vector.broadcast %parallel_loop3A_863 : f32 to vector<16xf32>
      %parallel_loop3A_871 = arith.mulf %parallel_loop3A_870, %parallel_loop3A_853 : vector<16xf32>
      %parallel_loop3A_872 = arith.addf %parallel_loop3A_812, %parallel_loop3A_871 : vector<16xf32>
      %parallel_loop3A_873 = vector.broadcast %parallel_loop3A_863 : f32 to vector<16xf32>
      %parallel_loop3A_874 = arith.mulf %parallel_loop3A_873, %parallel_loop3A_861 : vector<16xf32>
      %parallel_loop3A_875 = arith.addf %parallel_loop3A_815, %parallel_loop3A_874 : vector<16xf32>
      %parallel_loop3A_876 = vector.extract_strided_slice %parallel_loop3A_529 {offsets = [5], sizes = [1], strides = [1]} : vector<16xf32> to vector<1xf32>
      %parallel_loop3A_877 = vector.extract %parallel_loop3A_876[0] : f32 from vector<1xf32>
      %parallel_loop3A_878 = vector.broadcast %parallel_loop3A_877 : f32 to vector<16xf32>
      %parallel_loop3A_879 = arith.mulf %parallel_loop3A_878, %parallel_loop3A_837 : vector<16xf32>
      %parallel_loop3A_880 = arith.addf %parallel_loop3A_820, %parallel_loop3A_879 : vector<16xf32>
      %parallel_loop3A_881 = vector.broadcast %parallel_loop3A_877 : f32 to vector<16xf32>
      %parallel_loop3A_882 = arith.mulf %parallel_loop3A_881, %parallel_loop3A_845 : vector<16xf32>
      %parallel_loop3A_883 = arith.addf %parallel_loop3A_823, %parallel_loop3A_882 : vector<16xf32>
      %parallel_loop3A_884 = vector.broadcast %parallel_loop3A_877 : f32 to vector<16xf32>
      %parallel_loop3A_885 = arith.mulf %parallel_loop3A_884, %parallel_loop3A_853 : vector<16xf32>
      %parallel_loop3A_886 = arith.addf %parallel_loop3A_826, %parallel_loop3A_885 : vector<16xf32>
      %parallel_loop3A_887 = vector.broadcast %parallel_loop3A_877 : f32 to vector<16xf32>
      %parallel_loop3A_888 = arith.mulf %parallel_loop3A_887, %parallel_loop3A_861 : vector<16xf32>
      %parallel_loop3A_889 = arith.addf %parallel_loop3A_829, %parallel_loop3A_888 : vector<16xf32>
      %parallel_loop3A_890 = arith.constant 8 : i32
      %parallel_loop3A_891 = arith.muli %parallel_loop3A_507, %parallel_loop3A_890 : i32
      %parallel_loop3A_892 = arith.constant 3 : i32
      %parallel_loop3A_893 = arith.addi %parallel_loop3A_891, %parallel_loop3A_892 : i32
      %parallel_loop3A_894 = arith.index_cast %parallel_loop3A_893 : i32 to index
      %parallel_loop3A_895 = arith.constant 0 : index
      %parallel_loop3A_896 = tpu.vector_load %arg5[%parallel_loop3A_894, %parallel_loop3A_895] {strides = array<i32>} : memref<500x128xf32, #tpu.memory_space<vmem>>, vector<1x16xf32>,
      %parallel_loop3A_897 = vector.shape_cast %parallel_loop3A_896 : vector<1x16xf32> to vector<16xf32>
      %parallel_loop3A_898 = arith.constant 8 : i32
      %parallel_loop3A_899 = arith.muli %parallel_loop3A_507, %parallel_loop3A_898 : i32
      %parallel_loop3A_900 = arith.constant 3 : i32
      %parallel_loop3A_901 = arith.addi %parallel_loop3A_899, %parallel_loop3A_900 : i32
      %parallel_loop3A_902 = arith.index_cast %parallel_loop3A_901 : i32 to index
      %parallel_loop3A_903 = arith.constant 16 : index
      %parallel_loop3A_904 = tpu.vector_load %arg5[%parallel_loop3A_902, %parallel_loop3A_903] {strides = array<i32>} : memref<500x128xf32, #tpu.memory_space<vmem>>, vector<1x16xf32>,
      %parallel_loop3A_905 = vector.shape_cast %parallel_loop3A_904 : vector<1x16xf32> to vector<16xf32>
      %parallel_loop3A_906 = arith.constant 8 : i32
      %parallel_loop3A_907 = arith.muli %parallel_loop3A_507, %parallel_loop3A_906 : i32
      %parallel_loop3A_908 = arith.constant 3 : i32
      %parallel_loop3A_909 = arith.addi %parallel_loop3A_907, %parallel_loop3A_908 : i32
      %parallel_loop3A_910 = arith.index_cast %parallel_loop3A_909 : i32 to index
      %parallel_loop3A_911 = arith.constant 32 : index
      %parallel_loop3A_912 = tpu.vector_load %arg5[%parallel_loop3A_910, %parallel_loop3A_911] {strides = array<i32>} : memref<500x128xf32, #tpu.memory_space<vmem>>, vector<1x16xf32>,
      %parallel_loop3A_913 = vector.shape_cast %parallel_loop3A_912 : vector<1x16xf32> to vector<16xf32>
      %parallel_loop3A_914 = arith.constant 8 : i32
      %parallel_loop3A_915 = arith.muli %parallel_loop3A_507, %parallel_loop3A_914 : i32
      %parallel_loop3A_916 = arith.constant 3 : i32
      %parallel_loop3A_917 = arith.addi %parallel_loop3A_915, %parallel_loop3A_916 : i32
      %parallel_loop3A_918 = arith.index_cast %parallel_loop3A_917 : i32 to index
      %parallel_loop3A_919 = arith.constant 48 : index
      %parallel_loop3A_920 = tpu.vector_load %arg5[%parallel_loop3A_918, %parallel_loop3A_919] {strides = array<i32>} : memref<500x128xf32, #tpu.memory_space<vmem>>, vector<1x16xf32>,
      %parallel_loop3A_921 = vector.shape_cast %parallel_loop3A_920 : vector<1x16xf32> to vector<16xf32>
      %parallel_loop3A_922 = vector.extract_strided_slice %parallel_loop3A_522 {offsets = [6], sizes = [1], strides = [1]} : vector<16xf32> to vector<1xf32>
      %parallel_loop3A_923 = vector.extract %parallel_loop3A_922[0] : f32 from vector<1xf32>
      %parallel_loop3A_924 = vector.broadcast %parallel_loop3A_923 : f32 to vector<16xf32>
      %parallel_loop3A_925 = arith.mulf %parallel_loop3A_924, %parallel_loop3A_897 : vector<16xf32>
      %parallel_loop3A_926 = arith.addf %parallel_loop3A_866, %parallel_loop3A_925 : vector<16xf32>
      %parallel_loop3A_927 = vector.broadcast %parallel_loop3A_923 : f32 to vector<16xf32>
      %parallel_loop3A_928 = arith.mulf %parallel_loop3A_927, %parallel_loop3A_905 : vector<16xf32>
      %parallel_loop3A_929 = arith.addf %parallel_loop3A_869, %parallel_loop3A_928 : vector<16xf32>
      %parallel_loop3A_930 = vector.broadcast %parallel_loop3A_923 : f32 to vector<16xf32>
      %parallel_loop3A_931 = arith.mulf %parallel_loop3A_930, %parallel_loop3A_913 : vector<16xf32>
      %parallel_loop3A_932 = arith.addf %parallel_loop3A_872, %parallel_loop3A_931 : vector<16xf32>
      %parallel_loop3A_933 = vector.broadcast %parallel_loop3A_923 : f32 to vector<16xf32>
      %parallel_loop3A_934 = arith.mulf %parallel_loop3A_933, %parallel_loop3A_921 : vector<16xf32>
      %parallel_loop3A_935 = arith.addf %parallel_loop3A_875, %parallel_loop3A_934 : vector<16xf32>
      %parallel_loop3A_936 = vector.extract_strided_slice %parallel_loop3A_529 {offsets = [6], sizes = [1], strides = [1]} : vector<16xf32> to vector<1xf32>
      %parallel_loop3A_937 = vector.extract %parallel_loop3A_936[0] : f32 from vector<1xf32>
      %parallel_loop3A_938 = vector.broadcast %parallel_loop3A_937 : f32 to vector<16xf32>
      %parallel_loop3A_939 = arith.mulf %parallel_loop3A_938, %parallel_loop3A_897 : vector<16xf32>
      %parallel_loop3A_940 = arith.addf %parallel_loop3A_880, %parallel_loop3A_939 : vector<16xf32>
      %parallel_loop3A_941 = vector.broadcast %parallel_loop3A_937 : f32 to vector<16xf32>
      %parallel_loop3A_942 = arith.mulf %parallel_loop3A_941, %parallel_loop3A_905 : vector<16xf32>
      %parallel_loop3A_943 = arith.addf %parallel_loop3A_883, %parallel_loop3A_942 : vector<16xf32>
      %parallel_loop3A_944 = vector.broadcast %parallel_loop3A_937 : f32 to vector<16xf32>
      %parallel_loop3A_945 = arith.mulf %parallel_loop3A_944, %parallel_loop3A_913 : vector<16xf32>
      %parallel_loop3A_946 = arith.addf %parallel_loop3A_886, %parallel_loop3A_945 : vector<16xf32>
      %parallel_loop3A_947 = vector.broadcast %parallel_loop3A_937 : f32 to vector<16xf32>
      %parallel_loop3A_948 = arith.mulf %parallel_loop3A_947, %parallel_loop3A_921 : vector<16xf32>
      %parallel_loop3A_949 = arith.addf %parallel_loop3A_889, %parallel_loop3A_948 : vector<16xf32>
      %parallel_loop3A_950 = arith.constant 8 : i32
      %parallel_loop3A_951 = arith.muli %parallel_loop3A_507, %parallel_loop3A_950 : i32
      %parallel_loop3A_952 = arith.constant 3 : i32
      %parallel_loop3A_953 = arith.addi %parallel_loop3A_951, %parallel_loop3A_952 : i32
      %parallel_loop3A_954 = arith.index_cast %parallel_loop3A_953 : i32 to index
      %parallel_loop3A_955 = arith.constant 64 : index
      %parallel_loop3A_956 = tpu.vector_load %arg5[%parallel_loop3A_954, %parallel_loop3A_955] {strides = array<i32>} : memref<500x128xf32, #tpu.memory_space<vmem>>, vector<1x16xf32>,
      %parallel_loop3A_957 = vector.shape_cast %parallel_loop3A_956 : vector<1x16xf32> to vector<16xf32>
      %parallel_loop3A_958 = arith.constant 8 : i32
      %parallel_loop3A_959 = arith.muli %parallel_loop3A_507, %parallel_loop3A_958 : i32
      %parallel_loop3A_960 = arith.constant 3 : i32
      %parallel_loop3A_961 = arith.addi %parallel_loop3A_959, %parallel_loop3A_960 : i32
      %parallel_loop3A_962 = arith.index_cast %parallel_loop3A_961 : i32 to index
      %parallel_loop3A_963 = arith.constant 80 : index
      %parallel_loop3A_964 = tpu.vector_load %arg5[%parallel_loop3A_962, %parallel_loop3A_963] {strides = array<i32>} : memref<500x128xf32, #tpu.memory_space<vmem>>, vector<1x16xf32>,
      %parallel_loop3A_965 = vector.shape_cast %parallel_loop3A_964 : vector<1x16xf32> to vector<16xf32>
      %parallel_loop3A_966 = arith.constant 8 : i32
      %parallel_loop3A_967 = arith.muli %parallel_loop3A_507, %parallel_loop3A_966 : i32
      %parallel_loop3A_968 = arith.constant 3 : i32
      %parallel_loop3A_969 = arith.addi %parallel_loop3A_967, %parallel_loop3A_968 : i32
      %parallel_loop3A_970 = arith.index_cast %parallel_loop3A_969 : i32 to index
      %parallel_loop3A_971 = arith.constant 96 : index
      %parallel_loop3A_972 = tpu.vector_load %arg5[%parallel_loop3A_970, %parallel_loop3A_971] {strides = array<i32>} : memref<500x128xf32, #tpu.memory_space<vmem>>, vector<1x16xf32>,
      %parallel_loop3A_973 = vector.shape_cast %parallel_loop3A_972 : vector<1x16xf32> to vector<16xf32>
      %parallel_loop3A_974 = arith.constant 8 : i32
      %parallel_loop3A_975 = arith.muli %parallel_loop3A_507, %parallel_loop3A_974 : i32
      %parallel_loop3A_976 = arith.constant 3 : i32
      %parallel_loop3A_977 = arith.addi %parallel_loop3A_975, %parallel_loop3A_976 : i32
      %parallel_loop3A_978 = arith.index_cast %parallel_loop3A_977 : i32 to index
      %parallel_loop3A_979 = arith.constant 112 : index
      %parallel_loop3A_980 = tpu.vector_load %arg5[%parallel_loop3A_978, %parallel_loop3A_979] {strides = array<i32>} : memref<500x128xf32, #tpu.memory_space<vmem>>, vector<1x16xf32>,
      %parallel_loop3A_981 = vector.shape_cast %parallel_loop3A_980 : vector<1x16xf32> to vector<16xf32>
      %parallel_loop3A_982 = vector.extract_strided_slice %parallel_loop3A_522 {offsets = [7], sizes = [1], strides = [1]} : vector<16xf32> to vector<1xf32>
      %parallel_loop3A_983 = vector.extract %parallel_loop3A_982[0] : f32 from vector<1xf32>
      %parallel_loop3A_984 = vector.broadcast %parallel_loop3A_983 : f32 to vector<16xf32>
      %parallel_loop3A_985 = arith.mulf %parallel_loop3A_984, %parallel_loop3A_957 : vector<16xf32>
      %parallel_loop3A_986 = arith.addf %parallel_loop3A_926, %parallel_loop3A_985 : vector<16xf32>
      %parallel_loop3A_987 = vector.broadcast %parallel_loop3A_983 : f32 to vector<16xf32>
      %parallel_loop3A_988 = arith.mulf %parallel_loop3A_987, %parallel_loop3A_965 : vector<16xf32>
      %parallel_loop3A_989 = arith.addf %parallel_loop3A_929, %parallel_loop3A_988 : vector<16xf32>
      %parallel_loop3A_990 = vector.broadcast %parallel_loop3A_983 : f32 to vector<16xf32>
      %parallel_loop3A_991 = arith.mulf %parallel_loop3A_990, %parallel_loop3A_973 : vector<16xf32>
      %parallel_loop3A_992 = arith.addf %parallel_loop3A_932, %parallel_loop3A_991 : vector<16xf32>
      %parallel_loop3A_993 = vector.broadcast %parallel_loop3A_983 : f32 to vector<16xf32>
      %parallel_loop3A_994 = arith.mulf %parallel_loop3A_993, %parallel_loop3A_981 : vector<16xf32>
      %parallel_loop3A_995 = arith.addf %parallel_loop3A_935, %parallel_loop3A_994 : vector<16xf32>
      %parallel_loop3A_996 = vector.extract_strided_slice %parallel_loop3A_529 {offsets = [7], sizes = [1], strides = [1]} : vector<16xf32> to vector<1xf32>
      %parallel_loop3A_997 = vector.extract %parallel_loop3A_996[0] : f32 from vector<1xf32>
      %parallel_loop3A_998 = vector.broadcast %parallel_loop3A_997 : f32 to vector<16xf32>
      %parallel_loop3A_999 = arith.mulf %parallel_loop3A_998, %parallel_loop3A_957 : vector<16xf32>
      %parallel_loop3A_1000 = arith.addf %parallel_loop3A_940, %parallel_loop3A_999 : vector<16xf32>
      %parallel_loop3A_1001 = vector.broadcast %parallel_loop3A_997 : f32 to vector<16xf32>
      %parallel_loop3A_1002 = arith.mulf %parallel_loop3A_1001, %parallel_loop3A_965 : vector<16xf32>
      %parallel_loop3A_1003 = arith.addf %parallel_loop3A_943, %parallel_loop3A_1002 : vector<16xf32>
      %parallel_loop3A_1004 = vector.broadcast %parallel_loop3A_997 : f32 to vector<16xf32>
      %parallel_loop3A_1005 = arith.mulf %parallel_loop3A_1004, %parallel_loop3A_973 : vector<16xf32>
      %parallel_loop3A_1006 = arith.addf %parallel_loop3A_946, %parallel_loop3A_1005 : vector<16xf32>
      %parallel_loop3A_1007 = vector.broadcast %parallel_loop3A_997 : f32 to vector<16xf32>
      %parallel_loop3A_1008 = arith.mulf %parallel_loop3A_1007, %parallel_loop3A_981 : vector<16xf32>
      %parallel_loop3A_1009 = arith.addf %parallel_loop3A_949, %parallel_loop3A_1008 : vector<16xf32>
      %parallel_loop3A_1010 = arith.constant 8 : i32
      %parallel_loop3A_1011 = arith.muli %parallel_loop3A_507, %parallel_loop3A_1010 : i32
      %parallel_loop3A_1012 = arith.constant 4 : i32
      %parallel_loop3A_1013 = arith.addi %parallel_loop3A_1011, %parallel_loop3A_1012 : i32
      %parallel_loop3A_1014 = arith.index_cast %parallel_loop3A_1013 : i32 to index
      %parallel_loop3A_1015 = arith.constant 0 : index
      %parallel_loop3A_1016 = tpu.vector_load %arg5[%parallel_loop3A_1014, %parallel_loop3A_1015] {strides = array<i32>} : memref<500x128xf32, #tpu.memory_space<vmem>>, vector<1x16xf32>,
      %parallel_loop3A_1017 = vector.shape_cast %parallel_loop3A_1016 : vector<1x16xf32> to vector<16xf32>
      %parallel_loop3A_1018 = arith.constant 8 : i32
      %parallel_loop3A_1019 = arith.muli %parallel_loop3A_507, %parallel_loop3A_1018 : i32
      %parallel_loop3A_1020 = arith.constant 4 : i32
      %parallel_loop3A_1021 = arith.addi %parallel_loop3A_1019, %parallel_loop3A_1020 : i32
      %parallel_loop3A_1022 = arith.index_cast %parallel_loop3A_1021 : i32 to index
      %parallel_loop3A_1023 = arith.constant 16 : index
      %parallel_loop3A_1024 = tpu.vector_load %arg5[%parallel_loop3A_1022, %parallel_loop3A_1023] {strides = array<i32>} : memref<500x128xf32, #tpu.memory_space<vmem>>, vector<1x16xf32>,
      %parallel_loop3A_1025 = vector.shape_cast %parallel_loop3A_1024 : vector<1x16xf32> to vector<16xf32>
      %parallel_loop3A_1026 = arith.constant 8 : i32
      %parallel_loop3A_1027 = arith.muli %parallel_loop3A_507, %parallel_loop3A_1026 : i32
      %parallel_loop3A_1028 = arith.constant 4 : i32
      %parallel_loop3A_1029 = arith.addi %parallel_loop3A_1027, %parallel_loop3A_1028 : i32
      %parallel_loop3A_1030 = arith.index_cast %parallel_loop3A_1029 : i32 to index
      %parallel_loop3A_1031 = arith.constant 32 : index
      %parallel_loop3A_1032 = tpu.vector_load %arg5[%parallel_loop3A_1030, %parallel_loop3A_1031] {strides = array<i32>} : memref<500x128xf32, #tpu.memory_space<vmem>>, vector<1x16xf32>,
      %parallel_loop3A_1033 = vector.shape_cast %parallel_loop3A_1032 : vector<1x16xf32> to vector<16xf32>
      %parallel_loop3A_1034 = arith.constant 8 : i32
      %parallel_loop3A_1035 = arith.muli %parallel_loop3A_507, %parallel_loop3A_1034 : i32
      %parallel_loop3A_1036 = arith.constant 4 : i32
      %parallel_loop3A_1037 = arith.addi %parallel_loop3A_1035, %parallel_loop3A_1036 : i32
      %parallel_loop3A_1038 = arith.index_cast %parallel_loop3A_1037 : i32 to index
      %parallel_loop3A_1039 = arith.constant 48 : index
      %parallel_loop3A_1040 = tpu.vector_load %arg5[%parallel_loop3A_1038, %parallel_loop3A_1039] {strides = array<i32>} : memref<500x128xf32, #tpu.memory_space<vmem>>, vector<1x16xf32>,
      %parallel_loop3A_1041 = vector.shape_cast %parallel_loop3A_1040 : vector<1x16xf32> to vector<16xf32>
      %parallel_loop3A_1042 = vector.extract_strided_slice %parallel_loop3A_522 {offsets = [8], sizes = [1], strides = [1]} : vector<16xf32> to vector<1xf32>
      %parallel_loop3A_1043 = vector.extract %parallel_loop3A_1042[0] : f32 from vector<1xf32>
      %parallel_loop3A_1044 = vector.broadcast %parallel_loop3A_1043 : f32 to vector<16xf32>
      %parallel_loop3A_1045 = arith.mulf %parallel_loop3A_1044, %parallel_loop3A_1017 : vector<16xf32>
      %parallel_loop3A_1046 = arith.addf %parallel_loop3A_986, %parallel_loop3A_1045 : vector<16xf32>
      %parallel_loop3A_1047 = vector.broadcast %parallel_loop3A_1043 : f32 to vector<16xf32>
      %parallel_loop3A_1048 = arith.mulf %parallel_loop3A_1047, %parallel_loop3A_1025 : vector<16xf32>
      %parallel_loop3A_1049 = arith.addf %parallel_loop3A_989, %parallel_loop3A_1048 : vector<16xf32>
      %parallel_loop3A_1050 = vector.broadcast %parallel_loop3A_1043 : f32 to vector<16xf32>
      %parallel_loop3A_1051 = arith.mulf %parallel_loop3A_1050, %parallel_loop3A_1033 : vector<16xf32>
      %parallel_loop3A_1052 = arith.addf %parallel_loop3A_992, %parallel_loop3A_1051 : vector<16xf32>
      %parallel_loop3A_1053 = vector.broadcast %parallel_loop3A_1043 : f32 to vector<16xf32>
      %parallel_loop3A_1054 = arith.mulf %parallel_loop3A_1053, %parallel_loop3A_1041 : vector<16xf32>
      %parallel_loop3A_1055 = arith.addf %parallel_loop3A_995, %parallel_loop3A_1054 : vector<16xf32>
      %parallel_loop3A_1056 = vector.extract_strided_slice %parallel_loop3A_529 {offsets = [8], sizes = [1], strides = [1]} : vector<16xf32> to vector<1xf32>
      %parallel_loop3A_1057 = vector.extract %parallel_loop3A_1056[0] : f32 from vector<1xf32>
      %parallel_loop3A_1058 = vector.broadcast %parallel_loop3A_1057 : f32 to vector<16xf32>
      %parallel_loop3A_1059 = arith.mulf %parallel_loop3A_1058, %parallel_loop3A_1017 : vector<16xf32>
      %parallel_loop3A_1060 = arith.addf %parallel_loop3A_1000, %parallel_loop3A_1059 : vector<16xf32>
      %parallel_loop3A_1061 = vector.broadcast %parallel_loop3A_1057 : f32 to vector<16xf32>
      %parallel_loop3A_1062 = arith.mulf %parallel_loop3A_1061, %parallel_loop3A_1025 : vector<16xf32>
      %parallel_loop3A_1063 = arith.addf %parallel_loop3A_1003, %parallel_loop3A_1062 : vector<16xf32>
      %parallel_loop3A_1064 = vector.broadcast %parallel_loop3A_1057 : f32 to vector<16xf32>
      %parallel_loop3A_1065 = arith.mulf %parallel_loop3A_1064, %parallel_loop3A_1033 : vector<16xf32>
      %parallel_loop3A_1066 = arith.addf %parallel_loop3A_1006, %parallel_loop3A_1065 : vector<16xf32>
      %parallel_loop3A_1067 = vector.broadcast %parallel_loop3A_1057 : f32 to vector<16xf32>
      %parallel_loop3A_1068 = arith.mulf %parallel_loop3A_1067, %parallel_loop3A_1041 : vector<16xf32>
      %parallel_loop3A_1069 = arith.addf %parallel_loop3A_1009, %parallel_loop3A_1068 : vector<16xf32>
      %parallel_loop3A_1070 = arith.constant 8 : i32
      %parallel_loop3A_1071 = arith.muli %parallel_loop3A_507, %parallel_loop3A_1070 : i32
      %parallel_loop3A_1072 = arith.constant 4 : i32
      %parallel_loop3A_1073 = arith.addi %parallel_loop3A_1071, %parallel_loop3A_1072 : i32
      %parallel_loop3A_1074 = arith.index_cast %parallel_loop3A_1073 : i32 to index
      %parallel_loop3A_1075 = arith.constant 64 : index
      %parallel_loop3A_1076 = tpu.vector_load %arg5[%parallel_loop3A_1074, %parallel_loop3A_1075] {strides = array<i32>} : memref<500x128xf32, #tpu.memory_space<vmem>>, vector<1x16xf32>,
      %parallel_loop3A_1077 = vector.shape_cast %parallel_loop3A_1076 : vector<1x16xf32> to vector<16xf32>
      %parallel_loop3A_1078 = arith.constant 8 : i32
      %parallel_loop3A_1079 = arith.muli %parallel_loop3A_507, %parallel_loop3A_1078 : i32
      %parallel_loop3A_1080 = arith.constant 4 : i32
      %parallel_loop3A_1081 = arith.addi %parallel_loop3A_1079, %parallel_loop3A_1080 : i32
      %parallel_loop3A_1082 = arith.index_cast %parallel_loop3A_1081 : i32 to index
      %parallel_loop3A_1083 = arith.constant 80 : index
      %parallel_loop3A_1084 = tpu.vector_load %arg5[%parallel_loop3A_1082, %parallel_loop3A_1083] {strides = array<i32>} : memref<500x128xf32, #tpu.memory_space<vmem>>, vector<1x16xf32>,
      %parallel_loop3A_1085 = vector.shape_cast %parallel_loop3A_1084 : vector<1x16xf32> to vector<16xf32>
      %parallel_loop3A_1086 = arith.constant 8 : i32
      %parallel_loop3A_1087 = arith.muli %parallel_loop3A_507, %parallel_loop3A_1086 : i32
      %parallel_loop3A_1088 = arith.constant 4 : i32
      %parallel_loop3A_1089 = arith.addi %parallel_loop3A_1087, %parallel_loop3A_1088 : i32
      %parallel_loop3A_1090 = arith.index_cast %parallel_loop3A_1089 : i32 to index
      %parallel_loop3A_1091 = arith.constant 96 : index
      %parallel_loop3A_1092 = tpu.vector_load %arg5[%parallel_loop3A_1090, %parallel_loop3A_1091] {strides = array<i32>} : memref<500x128xf32, #tpu.memory_space<vmem>>, vector<1x16xf32>,
      %parallel_loop3A_1093 = vector.shape_cast %parallel_loop3A_1092 : vector<1x16xf32> to vector<16xf32>
      %parallel_loop3A_1094 = arith.constant 8 : i32
      %parallel_loop3A_1095 = arith.muli %parallel_loop3A_507, %parallel_loop3A_1094 : i32
      %parallel_loop3A_1096 = arith.constant 4 : i32
      %parallel_loop3A_1097 = arith.addi %parallel_loop3A_1095, %parallel_loop3A_1096 : i32
      %parallel_loop3A_1098 = arith.index_cast %parallel_loop3A_1097 : i32 to index
      %parallel_loop3A_1099 = arith.constant 112 : index
      %parallel_loop3A_1100 = tpu.vector_load %arg5[%parallel_loop3A_1098, %parallel_loop3A_1099] {strides = array<i32>} : memref<500x128xf32, #tpu.memory_space<vmem>>, vector<1x16xf32>,
      %parallel_loop3A_1101 = vector.shape_cast %parallel_loop3A_1100 : vector<1x16xf32> to vector<16xf32>
      %parallel_loop3A_1102 = vector.extract_strided_slice %parallel_loop3A_522 {offsets = [9], sizes = [1], strides = [1]} : vector<16xf32> to vector<1xf32>
      %parallel_loop3A_1103 = vector.extract %parallel_loop3A_1102[0] : f32 from vector<1xf32>
      %parallel_loop3A_1104 = vector.broadcast %parallel_loop3A_1103 : f32 to vector<16xf32>
      %parallel_loop3A_1105 = arith.mulf %parallel_loop3A_1104, %parallel_loop3A_1077 : vector<16xf32>
      %parallel_loop3A_1106 = arith.addf %parallel_loop3A_1046, %parallel_loop3A_1105 : vector<16xf32>
      %parallel_loop3A_1107 = vector.broadcast %parallel_loop3A_1103 : f32 to vector<16xf32>
      %parallel_loop3A_1108 = arith.mulf %parallel_loop3A_1107, %parallel_loop3A_1085 : vector<16xf32>
      %parallel_loop3A_1109 = arith.addf %parallel_loop3A_1049, %parallel_loop3A_1108 : vector<16xf32>
      %parallel_loop3A_1110 = vector.broadcast %parallel_loop3A_1103 : f32 to vector<16xf32>
      %parallel_loop3A_1111 = arith.mulf %parallel_loop3A_1110, %parallel_loop3A_1093 : vector<16xf32>
      %parallel_loop3A_1112 = arith.addf %parallel_loop3A_1052, %parallel_loop3A_1111 : vector<16xf32>
      %parallel_loop3A_1113 = vector.broadcast %parallel_loop3A_1103 : f32 to vector<16xf32>
      %parallel_loop3A_1114 = arith.mulf %parallel_loop3A_1113, %parallel_loop3A_1101 : vector<16xf32>
      %parallel_loop3A_1115 = arith.addf %parallel_loop3A_1055, %parallel_loop3A_1114 : vector<16xf32>
      %parallel_loop3A_1116 = vector.extract_strided_slice %parallel_loop3A_529 {offsets = [9], sizes = [1], strides = [1]} : vector<16xf32> to vector<1xf32>
      %parallel_loop3A_1117 = vector.extract %parallel_loop3A_1116[0] : f32 from vector<1xf32>
      %parallel_loop3A_1118 = vector.broadcast %parallel_loop3A_1117 : f32 to vector<16xf32>
      %parallel_loop3A_1119 = arith.mulf %parallel_loop3A_1118, %parallel_loop3A_1077 : vector<16xf32>
      %parallel_loop3A_1120 = arith.addf %parallel_loop3A_1060, %parallel_loop3A_1119 : vector<16xf32>
      %parallel_loop3A_1121 = vector.broadcast %parallel_loop3A_1117 : f32 to vector<16xf32>
      %parallel_loop3A_1122 = arith.mulf %parallel_loop3A_1121, %parallel_loop3A_1085 : vector<16xf32>
      %parallel_loop3A_1123 = arith.addf %parallel_loop3A_1063, %parallel_loop3A_1122 : vector<16xf32>
      %parallel_loop3A_1124 = vector.broadcast %parallel_loop3A_1117 : f32 to vector<16xf32>
      %parallel_loop3A_1125 = arith.mulf %parallel_loop3A_1124, %parallel_loop3A_1093 : vector<16xf32>
      %parallel_loop3A_1126 = arith.addf %parallel_loop3A_1066, %parallel_loop3A_1125 : vector<16xf32>
      %parallel_loop3A_1127 = vector.broadcast %parallel_loop3A_1117 : f32 to vector<16xf32>
      %parallel_loop3A_1128 = arith.mulf %parallel_loop3A_1127, %parallel_loop3A_1101 : vector<16xf32>
      %parallel_loop3A_1129 = arith.addf %parallel_loop3A_1069, %parallel_loop3A_1128 : vector<16xf32>
      %parallel_loop3A_1130 = arith.constant 8 : i32
      %parallel_loop3A_1131 = arith.muli %parallel_loop3A_507, %parallel_loop3A_1130 : i32
      %parallel_loop3A_1132 = arith.constant 5 : i32
      %parallel_loop3A_1133 = arith.addi %parallel_loop3A_1131, %parallel_loop3A_1132 : i32
      %parallel_loop3A_1134 = arith.index_cast %parallel_loop3A_1133 : i32 to index
      %parallel_loop3A_1135 = arith.constant 0 : index
      %parallel_loop3A_1136 = tpu.vector_load %arg5[%parallel_loop3A_1134, %parallel_loop3A_1135] {strides = array<i32>} : memref<500x128xf32, #tpu.memory_space<vmem>>, vector<1x16xf32>,
      %parallel_loop3A_1137 = vector.shape_cast %parallel_loop3A_1136 : vector<1x16xf32> to vector<16xf32>
      %parallel_loop3A_1138 = arith.constant 8 : i32
      %parallel_loop3A_1139 = arith.muli %parallel_loop3A_507, %parallel_loop3A_1138 : i32
      %parallel_loop3A_1140 = arith.constant 5 : i32
      %parallel_loop3A_1141 = arith.addi %parallel_loop3A_1139, %parallel_loop3A_1140 : i32
      %parallel_loop3A_1142 = arith.index_cast %parallel_loop3A_1141 : i32 to index
      %parallel_loop3A_1143 = arith.constant 16 : index
      %parallel_loop3A_1144 = tpu.vector_load %arg5[%parallel_loop3A_1142, %parallel_loop3A_1143] {strides = array<i32>} : memref<500x128xf32, #tpu.memory_space<vmem>>, vector<1x16xf32>,
      %parallel_loop3A_1145 = vector.shape_cast %parallel_loop3A_1144 : vector<1x16xf32> to vector<16xf32>
      %parallel_loop3A_1146 = arith.constant 8 : i32
      %parallel_loop3A_1147 = arith.muli %parallel_loop3A_507, %parallel_loop3A_1146 : i32
      %parallel_loop3A_1148 = arith.constant 5 : i32
      %parallel_loop3A_1149 = arith.addi %parallel_loop3A_1147, %parallel_loop3A_1148 : i32
      %parallel_loop3A_1150 = arith.index_cast %parallel_loop3A_1149 : i32 to index
      %parallel_loop3A_1151 = arith.constant 32 : index
      %parallel_loop3A_1152 = tpu.vector_load %arg5[%parallel_loop3A_1150, %parallel_loop3A_1151] {strides = array<i32>} : memref<500x128xf32, #tpu.memory_space<vmem>>, vector<1x16xf32>,
      %parallel_loop3A_1153 = vector.shape_cast %parallel_loop3A_1152 : vector<1x16xf32> to vector<16xf32>
      %parallel_loop3A_1154 = arith.constant 8 : i32
      %parallel_loop3A_1155 = arith.muli %parallel_loop3A_507, %parallel_loop3A_1154 : i32
      %parallel_loop3A_1156 = arith.constant 5 : i32
      %parallel_loop3A_1157 = arith.addi %parallel_loop3A_1155, %parallel_loop3A_1156 : i32
      %parallel_loop3A_1158 = arith.index_cast %parallel_loop3A_1157 : i32 to index
      %parallel_loop3A_1159 = arith.constant 48 : index
      %parallel_loop3A_1160 = tpu.vector_load %arg5[%parallel_loop3A_1158, %parallel_loop3A_1159] {strides = array<i32>} : memref<500x128xf32, #tpu.memory_space<vmem>>, vector<1x16xf32>,
      %parallel_loop3A_1161 = vector.shape_cast %parallel_loop3A_1160 : vector<1x16xf32> to vector<16xf32>
      %parallel_loop3A_1162 = vector.extract_strided_slice %parallel_loop3A_522 {offsets = [10], sizes = [1], strides = [1]} : vector<16xf32> to vector<1xf32>
      %parallel_loop3A_1163 = vector.extract %parallel_loop3A_1162[0] : f32 from vector<1xf32>
      %parallel_loop3A_1164 = vector.broadcast %parallel_loop3A_1163 : f32 to vector<16xf32>
      %parallel_loop3A_1165 = arith.mulf %parallel_loop3A_1164, %parallel_loop3A_1137 : vector<16xf32>
      %parallel_loop3A_1166 = arith.addf %parallel_loop3A_1106, %parallel_loop3A_1165 : vector<16xf32>
      %parallel_loop3A_1167 = vector.broadcast %parallel_loop3A_1163 : f32 to vector<16xf32>
      %parallel_loop3A_1168 = arith.mulf %parallel_loop3A_1167, %parallel_loop3A_1145 : vector<16xf32>
      %parallel_loop3A_1169 = arith.addf %parallel_loop3A_1109, %parallel_loop3A_1168 : vector<16xf32>
      %parallel_loop3A_1170 = vector.broadcast %parallel_loop3A_1163 : f32 to vector<16xf32>
      %parallel_loop3A_1171 = arith.mulf %parallel_loop3A_1170, %parallel_loop3A_1153 : vector<16xf32>
      %parallel_loop3A_1172 = arith.addf %parallel_loop3A_1112, %parallel_loop3A_1171 : vector<16xf32>
      %parallel_loop3A_1173 = vector.broadcast %parallel_loop3A_1163 : f32 to vector<16xf32>
      %parallel_loop3A_1174 = arith.mulf %parallel_loop3A_1173, %parallel_loop3A_1161 : vector<16xf32>
      %parallel_loop3A_1175 = arith.addf %parallel_loop3A_1115, %parallel_loop3A_1174 : vector<16xf32>
      %parallel_loop3A_1176 = vector.extract_strided_slice %parallel_loop3A_529 {offsets = [10], sizes = [1], strides = [1]} : vector<16xf32> to vector<1xf32>
      %parallel_loop3A_1177 = vector.extract %parallel_loop3A_1176[0] : f32 from vector<1xf32>
      %parallel_loop3A_1178 = vector.broadcast %parallel_loop3A_1177 : f32 to vector<16xf32>
      %parallel_loop3A_1179 = arith.mulf %parallel_loop3A_1178, %parallel_loop3A_1137 : vector<16xf32>
      %parallel_loop3A_1180 = arith.addf %parallel_loop3A_1120, %parallel_loop3A_1179 : vector<16xf32>
      %parallel_loop3A_1181 = vector.broadcast %parallel_loop3A_1177 : f32 to vector<16xf32>
      %parallel_loop3A_1182 = arith.mulf %parallel_loop3A_1181, %parallel_loop3A_1145 : vector<16xf32>
      %parallel_loop3A_1183 = arith.addf %parallel_loop3A_1123, %parallel_loop3A_1182 : vector<16xf32>
      %parallel_loop3A_1184 = vector.broadcast %parallel_loop3A_1177 : f32 to vector<16xf32>
      %parallel_loop3A_1185 = arith.mulf %parallel_loop3A_1184, %parallel_loop3A_1153 : vector<16xf32>
      %parallel_loop3A_1186 = arith.addf %parallel_loop3A_1126, %parallel_loop3A_1185 : vector<16xf32>
      %parallel_loop3A_1187 = vector.broadcast %parallel_loop3A_1177 : f32 to vector<16xf32>
      %parallel_loop3A_1188 = arith.mulf %parallel_loop3A_1187, %parallel_loop3A_1161 : vector<16xf32>
      %parallel_loop3A_1189 = arith.addf %parallel_loop3A_1129, %parallel_loop3A_1188 : vector<16xf32>
      %parallel_loop3A_1190 = arith.constant 8 : i32
      %parallel_loop3A_1191 = arith.muli %parallel_loop3A_507, %parallel_loop3A_1190 : i32
      %parallel_loop3A_1192 = arith.constant 5 : i32
      %parallel_loop3A_1193 = arith.addi %parallel_loop3A_1191, %parallel_loop3A_1192 : i32
      %parallel_loop3A_1194 = arith.index_cast %parallel_loop3A_1193 : i32 to index
      %parallel_loop3A_1195 = arith.constant 64 : index
      %parallel_loop3A_1196 = tpu.vector_load %arg5[%parallel_loop3A_1194, %parallel_loop3A_1195] {strides = array<i32>} : memref<500x128xf32, #tpu.memory_space<vmem>>, vector<1x16xf32>,
      %parallel_loop3A_1197 = vector.shape_cast %parallel_loop3A_1196 : vector<1x16xf32> to vector<16xf32>
      %parallel_loop3A_1198 = arith.constant 8 : i32
      %parallel_loop3A_1199 = arith.muli %parallel_loop3A_507, %parallel_loop3A_1198 : i32
      %parallel_loop3A_1200 = arith.constant 5 : i32
      %parallel_loop3A_1201 = arith.addi %parallel_loop3A_1199, %parallel_loop3A_1200 : i32
      %parallel_loop3A_1202 = arith.index_cast %parallel_loop3A_1201 : i32 to index
      %parallel_loop3A_1203 = arith.constant 80 : index
      %parallel_loop3A_1204 = tpu.vector_load %arg5[%parallel_loop3A_1202, %parallel_loop3A_1203] {strides = array<i32>} : memref<500x128xf32, #tpu.memory_space<vmem>>, vector<1x16xf32>,
      %parallel_loop3A_1205 = vector.shape_cast %parallel_loop3A_1204 : vector<1x16xf32> to vector<16xf32>
      %parallel_loop3A_1206 = arith.constant 8 : i32
      %parallel_loop3A_1207 = arith.muli %parallel_loop3A_507, %parallel_loop3A_1206 : i32
      %parallel_loop3A_1208 = arith.constant 5 : i32
      %parallel_loop3A_1209 = arith.addi %parallel_loop3A_1207, %parallel_loop3A_1208 : i32
      %parallel_loop3A_1210 = arith.index_cast %parallel_loop3A_1209 : i32 to index
      %parallel_loop3A_1211 = arith.constant 96 : index
      %parallel_loop3A_1212 = tpu.vector_load %arg5[%parallel_loop3A_1210, %parallel_loop3A_1211] {strides = array<i32>} : memref<500x128xf32, #tpu.memory_space<vmem>>, vector<1x16xf32>,
      %parallel_loop3A_1213 = vector.shape_cast %parallel_loop3A_1212 : vector<1x16xf32> to vector<16xf32>
      %parallel_loop3A_1214 = arith.constant 8 : i32
      %parallel_loop3A_1215 = arith.muli %parallel_loop3A_507, %parallel_loop3A_1214 : i32
      %parallel_loop3A_1216 = arith.constant 5 : i32
      %parallel_loop3A_1217 = arith.addi %parallel_loop3A_1215, %parallel_loop3A_1216 : i32
      %parallel_loop3A_1218 = arith.index_cast %parallel_loop3A_1217 : i32 to index
      %parallel_loop3A_1219 = arith.constant 112 : index
      %parallel_loop3A_1220 = tpu.vector_load %arg5[%parallel_loop3A_1218, %parallel_loop3A_1219] {strides = array<i32>} : memref<500x128xf32, #tpu.memory_space<vmem>>, vector<1x16xf32>,
      %parallel_loop3A_1221 = vector.shape_cast %parallel_loop3A_1220 : vector<1x16xf32> to vector<16xf32>
      %parallel_loop3A_1222 = vector.extract_strided_slice %parallel_loop3A_522 {offsets = [11], sizes = [1], strides = [1]} : vector<16xf32> to vector<1xf32>
      %parallel_loop3A_1223 = vector.extract %parallel_loop3A_1222[0] : f32 from vector<1xf32>
      %parallel_loop3A_1224 = vector.broadcast %parallel_loop3A_1223 : f32 to vector<16xf32>
      %parallel_loop3A_1225 = arith.mulf %parallel_loop3A_1224, %parallel_loop3A_1197 : vector<16xf32>
      %parallel_loop3A_1226 = arith.addf %parallel_loop3A_1166, %parallel_loop3A_1225 : vector<16xf32>
      %parallel_loop3A_1227 = vector.broadcast %parallel_loop3A_1223 : f32 to vector<16xf32>
      %parallel_loop3A_1228 = arith.mulf %parallel_loop3A_1227, %parallel_loop3A_1205 : vector<16xf32>
      %parallel_loop3A_1229 = arith.addf %parallel_loop3A_1169, %parallel_loop3A_1228 : vector<16xf32>
      %parallel_loop3A_1230 = vector.broadcast %parallel_loop3A_1223 : f32 to vector<16xf32>
      %parallel_loop3A_1231 = arith.mulf %parallel_loop3A_1230, %parallel_loop3A_1213 : vector<16xf32>
      %parallel_loop3A_1232 = arith.addf %parallel_loop3A_1172, %parallel_loop3A_1231 : vector<16xf32>
      %parallel_loop3A_1233 = vector.broadcast %parallel_loop3A_1223 : f32 to vector<16xf32>
      %parallel_loop3A_1234 = arith.mulf %parallel_loop3A_1233, %parallel_loop3A_1221 : vector<16xf32>
      %parallel_loop3A_1235 = arith.addf %parallel_loop3A_1175, %parallel_loop3A_1234 : vector<16xf32>
      %parallel_loop3A_1236 = vector.extract_strided_slice %parallel_loop3A_529 {offsets = [11], sizes = [1], strides = [1]} : vector<16xf32> to vector<1xf32>
      %parallel_loop3A_1237 = vector.extract %parallel_loop3A_1236[0] : f32 from vector<1xf32>
      %parallel_loop3A_1238 = vector.broadcast %parallel_loop3A_1237 : f32 to vector<16xf32>
      %parallel_loop3A_1239 = arith.mulf %parallel_loop3A_1238, %parallel_loop3A_1197 : vector<16xf32>
      %parallel_loop3A_1240 = arith.addf %parallel_loop3A_1180, %parallel_loop3A_1239 : vector<16xf32>
      %parallel_loop3A_1241 = vector.broadcast %parallel_loop3A_1237 : f32 to vector<16xf32>
      %parallel_loop3A_1242 = arith.mulf %parallel_loop3A_1241, %parallel_loop3A_1205 : vector<16xf32>
      %parallel_loop3A_1243 = arith.addf %parallel_loop3A_1183, %parallel_loop3A_1242 : vector<16xf32>
      %parallel_loop3A_1244 = vector.broadcast %parallel_loop3A_1237 : f32 to vector<16xf32>
      %parallel_loop3A_1245 = arith.mulf %parallel_loop3A_1244, %parallel_loop3A_1213 : vector<16xf32>
      %parallel_loop3A_1246 = arith.addf %parallel_loop3A_1186, %parallel_loop3A_1245 : vector<16xf32>
      %parallel_loop3A_1247 = vector.broadcast %parallel_loop3A_1237 : f32 to vector<16xf32>
      %parallel_loop3A_1248 = arith.mulf %parallel_loop3A_1247, %parallel_loop3A_1221 : vector<16xf32>
      %parallel_loop3A_1249 = arith.addf %parallel_loop3A_1189, %parallel_loop3A_1248 : vector<16xf32>
      %parallel_loop3A_1250 = arith.constant 8 : i32
      %parallel_loop3A_1251 = arith.muli %parallel_loop3A_507, %parallel_loop3A_1250 : i32
      %parallel_loop3A_1252 = arith.constant 6 : i32
      %parallel_loop3A_1253 = arith.addi %parallel_loop3A_1251, %parallel_loop3A_1252 : i32
      %parallel_loop3A_1254 = arith.index_cast %parallel_loop3A_1253 : i32 to index
      %parallel_loop3A_1255 = arith.constant 0 : index
      %parallel_loop3A_1256 = tpu.vector_load %arg5[%parallel_loop3A_1254, %parallel_loop3A_1255] {strides = array<i32>} : memref<500x128xf32, #tpu.memory_space<vmem>>, vector<1x16xf32>,
      %parallel_loop3A_1257 = vector.shape_cast %parallel_loop3A_1256 : vector<1x16xf32> to vector<16xf32>
      %parallel_loop3A_1258 = arith.constant 8 : i32
      %parallel_loop3A_1259 = arith.muli %parallel_loop3A_507, %parallel_loop3A_1258 : i32
      %parallel_loop3A_1260 = arith.constant 6 : i32
      %parallel_loop3A_1261 = arith.addi %parallel_loop3A_1259, %parallel_loop3A_1260 : i32
      %parallel_loop3A_1262 = arith.index_cast %parallel_loop3A_1261 : i32 to index
      %parallel_loop3A_1263 = arith.constant 16 : index
      %parallel_loop3A_1264 = tpu.vector_load %arg5[%parallel_loop3A_1262, %parallel_loop3A_1263] {strides = array<i32>} : memref<500x128xf32, #tpu.memory_space<vmem>>, vector<1x16xf32>,
      %parallel_loop3A_1265 = vector.shape_cast %parallel_loop3A_1264 : vector<1x16xf32> to vector<16xf32>
      %parallel_loop3A_1266 = arith.constant 8 : i32
      %parallel_loop3A_1267 = arith.muli %parallel_loop3A_507, %parallel_loop3A_1266 : i32
      %parallel_loop3A_1268 = arith.constant 6 : i32
      %parallel_loop3A_1269 = arith.addi %parallel_loop3A_1267, %parallel_loop3A_1268 : i32
      %parallel_loop3A_1270 = arith.index_cast %parallel_loop3A_1269 : i32 to index
      %parallel_loop3A_1271 = arith.constant 32 : index
      %parallel_loop3A_1272 = tpu.vector_load %arg5[%parallel_loop3A_1270, %parallel_loop3A_1271] {strides = array<i32>} : memref<500x128xf32, #tpu.memory_space<vmem>>, vector<1x16xf32>,
      %parallel_loop3A_1273 = vector.shape_cast %parallel_loop3A_1272 : vector<1x16xf32> to vector<16xf32>
      %parallel_loop3A_1274 = arith.constant 8 : i32
      %parallel_loop3A_1275 = arith.muli %parallel_loop3A_507, %parallel_loop3A_1274 : i32
      %parallel_loop3A_1276 = arith.constant 6 : i32
      %parallel_loop3A_1277 = arith.addi %parallel_loop3A_1275, %parallel_loop3A_1276 : i32
      %parallel_loop3A_1278 = arith.index_cast %parallel_loop3A_1277 : i32 to index
      %parallel_loop3A_1279 = arith.constant 48 : index
      %parallel_loop3A_1280 = tpu.vector_load %arg5[%parallel_loop3A_1278, %parallel_loop3A_1279] {strides = array<i32>} : memref<500x128xf32, #tpu.memory_space<vmem>>, vector<1x16xf32>,
      %parallel_loop3A_1281 = vector.shape_cast %parallel_loop3A_1280 : vector<1x16xf32> to vector<16xf32>
      %parallel_loop3A_1282 = vector.extract_strided_slice %parallel_loop3A_522 {offsets = [12], sizes = [1], strides = [1]} : vector<16xf32> to vector<1xf32>
      %parallel_loop3A_1283 = vector.extract %parallel_loop3A_1282[0] : f32 from vector<1xf32>
      %parallel_loop3A_1284 = vector.broadcast %parallel_loop3A_1283 : f32 to vector<16xf32>
      %parallel_loop3A_1285 = arith.mulf %parallel_loop3A_1284, %parallel_loop3A_1257 : vector<16xf32>
      %parallel_loop3A_1286 = arith.addf %parallel_loop3A_1226, %parallel_loop3A_1285 : vector<16xf32>
      %parallel_loop3A_1287 = vector.broadcast %parallel_loop3A_1283 : f32 to vector<16xf32>
      %parallel_loop3A_1288 = arith.mulf %parallel_loop3A_1287, %parallel_loop3A_1265 : vector<16xf32>
      %parallel_loop3A_1289 = arith.addf %parallel_loop3A_1229, %parallel_loop3A_1288 : vector<16xf32>
      %parallel_loop3A_1290 = vector.broadcast %parallel_loop3A_1283 : f32 to vector<16xf32>
      %parallel_loop3A_1291 = arith.mulf %parallel_loop3A_1290, %parallel_loop3A_1273 : vector<16xf32>
      %parallel_loop3A_1292 = arith.addf %parallel_loop3A_1232, %parallel_loop3A_1291 : vector<16xf32>
      %parallel_loop3A_1293 = vector.broadcast %parallel_loop3A_1283 : f32 to vector<16xf32>
      %parallel_loop3A_1294 = arith.mulf %parallel_loop3A_1293, %parallel_loop3A_1281 : vector<16xf32>
      %parallel_loop3A_1295 = arith.addf %parallel_loop3A_1235, %parallel_loop3A_1294 : vector<16xf32>
      %parallel_loop3A_1296 = vector.extract_strided_slice %parallel_loop3A_529 {offsets = [12], sizes = [1], strides = [1]} : vector<16xf32> to vector<1xf32>
      %parallel_loop3A_1297 = vector.extract %parallel_loop3A_1296[0] : f32 from vector<1xf32>
      %parallel_loop3A_1298 = vector.broadcast %parallel_loop3A_1297 : f32 to vector<16xf32>
      %parallel_loop3A_1299 = arith.mulf %parallel_loop3A_1298, %parallel_loop3A_1257 : vector<16xf32>
      %parallel_loop3A_1300 = arith.addf %parallel_loop3A_1240, %parallel_loop3A_1299 : vector<16xf32>
      %parallel_loop3A_1301 = vector.broadcast %parallel_loop3A_1297 : f32 to vector<16xf32>
      %parallel_loop3A_1302 = arith.mulf %parallel_loop3A_1301, %parallel_loop3A_1265 : vector<16xf32>
      %parallel_loop3A_1303 = arith.addf %parallel_loop3A_1243, %parallel_loop3A_1302 : vector<16xf32>
      %parallel_loop3A_1304 = vector.broadcast %parallel_loop3A_1297 : f32 to vector<16xf32>
      %parallel_loop3A_1305 = arith.mulf %parallel_loop3A_1304, %parallel_loop3A_1273 : vector<16xf32>
      %parallel_loop3A_1306 = arith.addf %parallel_loop3A_1246, %parallel_loop3A_1305 : vector<16xf32>
      %parallel_loop3A_1307 = vector.broadcast %parallel_loop3A_1297 : f32 to vector<16xf32>
      %parallel_loop3A_1308 = arith.mulf %parallel_loop3A_1307, %parallel_loop3A_1281 : vector<16xf32>
      %parallel_loop3A_1309 = arith.addf %parallel_loop3A_1249, %parallel_loop3A_1308 : vector<16xf32>
      %parallel_loop3A_1310 = arith.constant 8 : i32
      %parallel_loop3A_1311 = arith.muli %parallel_loop3A_507, %parallel_loop3A_1310 : i32
      %parallel_loop3A_1312 = arith.constant 6 : i32
      %parallel_loop3A_1313 = arith.addi %parallel_loop3A_1311, %parallel_loop3A_1312 : i32
      %parallel_loop3A_1314 = arith.index_cast %parallel_loop3A_1313 : i32 to index
      %parallel_loop3A_1315 = arith.constant 64 : index
      %parallel_loop3A_1316 = tpu.vector_load %arg5[%parallel_loop3A_1314, %parallel_loop3A_1315] {strides = array<i32>} : memref<500x128xf32, #tpu.memory_space<vmem>>, vector<1x16xf32>,
      %parallel_loop3A_1317 = vector.shape_cast %parallel_loop3A_1316 : vector<1x16xf32> to vector<16xf32>
      %parallel_loop3A_1318 = arith.constant 8 : i32
      %parallel_loop3A_1319 = arith.muli %parallel_loop3A_507, %parallel_loop3A_1318 : i32
      %parallel_loop3A_1320 = arith.constant 6 : i32
      %parallel_loop3A_1321 = arith.addi %parallel_loop3A_1319, %parallel_loop3A_1320 : i32
      %parallel_loop3A_1322 = arith.index_cast %parallel_loop3A_1321 : i32 to index
      %parallel_loop3A_1323 = arith.constant 80 : index
      %parallel_loop3A_1324 = tpu.vector_load %arg5[%parallel_loop3A_1322, %parallel_loop3A_1323] {strides = array<i32>} : memref<500x128xf32, #tpu.memory_space<vmem>>, vector<1x16xf32>,
      %parallel_loop3A_1325 = vector.shape_cast %parallel_loop3A_1324 : vector<1x16xf32> to vector<16xf32>
      %parallel_loop3A_1326 = arith.constant 8 : i32
      %parallel_loop3A_1327 = arith.muli %parallel_loop3A_507, %parallel_loop3A_1326 : i32
      %parallel_loop3A_1328 = arith.constant 6 : i32
      %parallel_loop3A_1329 = arith.addi %parallel_loop3A_1327, %parallel_loop3A_1328 : i32
      %parallel_loop3A_1330 = arith.index_cast %parallel_loop3A_1329 : i32 to index
      %parallel_loop3A_1331 = arith.constant 96 : index
      %parallel_loop3A_1332 = tpu.vector_load %arg5[%parallel_loop3A_1330, %parallel_loop3A_1331] {strides = array<i32>} : memref<500x128xf32, #tpu.memory_space<vmem>>, vector<1x16xf32>,
      %parallel_loop3A_1333 = vector.shape_cast %parallel_loop3A_1332 : vector<1x16xf32> to vector<16xf32>
      %parallel_loop3A_1334 = arith.constant 8 : i32
      %parallel_loop3A_1335 = arith.muli %parallel_loop3A_507, %parallel_loop3A_1334 : i32
      %parallel_loop3A_1336 = arith.constant 6 : i32
      %parallel_loop3A_1337 = arith.addi %parallel_loop3A_1335, %parallel_loop3A_1336 : i32
      %parallel_loop3A_1338 = arith.index_cast %parallel_loop3A_1337 : i32 to index
      %parallel_loop3A_1339 = arith.constant 112 : index
      %parallel_loop3A_1340 = tpu.vector_load %arg5[%parallel_loop3A_1338, %parallel_loop3A_1339] {strides = array<i32>} : memref<500x128xf32, #tpu.memory_space<vmem>>, vector<1x16xf32>,
      %parallel_loop3A_1341 = vector.shape_cast %parallel_loop3A_1340 : vector<1x16xf32> to vector<16xf32>
      %parallel_loop3A_1342 = vector.extract_strided_slice %parallel_loop3A_522 {offsets = [13], sizes = [1], strides = [1]} : vector<16xf32> to vector<1xf32>
      %parallel_loop3A_1343 = vector.extract %parallel_loop3A_1342[0] : f32 from vector<1xf32>
      %parallel_loop3A_1344 = vector.broadcast %parallel_loop3A_1343 : f32 to vector<16xf32>
      %parallel_loop3A_1345 = arith.mulf %parallel_loop3A_1344, %parallel_loop3A_1317 : vector<16xf32>
      %parallel_loop3A_1346 = arith.addf %parallel_loop3A_1286, %parallel_loop3A_1345 : vector<16xf32>
      %parallel_loop3A_1347 = vector.broadcast %parallel_loop3A_1343 : f32 to vector<16xf32>
      %parallel_loop3A_1348 = arith.mulf %parallel_loop3A_1347, %parallel_loop3A_1325 : vector<16xf32>
      %parallel_loop3A_1349 = arith.addf %parallel_loop3A_1289, %parallel_loop3A_1348 : vector<16xf32>
      %parallel_loop3A_1350 = vector.broadcast %parallel_loop3A_1343 : f32 to vector<16xf32>
      %parallel_loop3A_1351 = arith.mulf %parallel_loop3A_1350, %parallel_loop3A_1333 : vector<16xf32>
      %parallel_loop3A_1352 = arith.addf %parallel_loop3A_1292, %parallel_loop3A_1351 : vector<16xf32>
      %parallel_loop3A_1353 = vector.broadcast %parallel_loop3A_1343 : f32 to vector<16xf32>
      %parallel_loop3A_1354 = arith.mulf %parallel_loop3A_1353, %parallel_loop3A_1341 : vector<16xf32>
      %parallel_loop3A_1355 = arith.addf %parallel_loop3A_1295, %parallel_loop3A_1354 : vector<16xf32>
      %parallel_loop3A_1356 = vector.extract_strided_slice %parallel_loop3A_529 {offsets = [13], sizes = [1], strides = [1]} : vector<16xf32> to vector<1xf32>
      %parallel_loop3A_1357 = vector.extract %parallel_loop3A_1356[0] : f32 from vector<1xf32>
      %parallel_loop3A_1358 = vector.broadcast %parallel_loop3A_1357 : f32 to vector<16xf32>
      %parallel_loop3A_1359 = arith.mulf %parallel_loop3A_1358, %parallel_loop3A_1317 : vector<16xf32>
      %parallel_loop3A_1360 = arith.addf %parallel_loop3A_1300, %parallel_loop3A_1359 : vector<16xf32>
      %parallel_loop3A_1361 = vector.broadcast %parallel_loop3A_1357 : f32 to vector<16xf32>
      %parallel_loop3A_1362 = arith.mulf %parallel_loop3A_1361, %parallel_loop3A_1325 : vector<16xf32>
      %parallel_loop3A_1363 = arith.addf %parallel_loop3A_1303, %parallel_loop3A_1362 : vector<16xf32>
      %parallel_loop3A_1364 = vector.broadcast %parallel_loop3A_1357 : f32 to vector<16xf32>
      %parallel_loop3A_1365 = arith.mulf %parallel_loop3A_1364, %parallel_loop3A_1333 : vector<16xf32>
      %parallel_loop3A_1366 = arith.addf %parallel_loop3A_1306, %parallel_loop3A_1365 : vector<16xf32>
      %parallel_loop3A_1367 = vector.broadcast %parallel_loop3A_1357 : f32 to vector<16xf32>
      %parallel_loop3A_1368 = arith.mulf %parallel_loop3A_1367, %parallel_loop3A_1341 : vector<16xf32>
      %parallel_loop3A_1369 = arith.addf %parallel_loop3A_1309, %parallel_loop3A_1368 : vector<16xf32>
      %parallel_loop3A_1370 = arith.constant 8 : i32
      %parallel_loop3A_1371 = arith.muli %parallel_loop3A_507, %parallel_loop3A_1370 : i32
      %parallel_loop3A_1372 = arith.constant 7 : i32
      %parallel_loop3A_1373 = arith.addi %parallel_loop3A_1371, %parallel_loop3A_1372 : i32
      %parallel_loop3A_1374 = arith.index_cast %parallel_loop3A_1373 : i32 to index
      %parallel_loop3A_1375 = arith.constant 0 : index
      %parallel_loop3A_1376 = tpu.vector_load %arg5[%parallel_loop3A_1374, %parallel_loop3A_1375] {strides = array<i32>} : memref<500x128xf32, #tpu.memory_space<vmem>>, vector<1x16xf32>,
      %parallel_loop3A_1377 = vector.shape_cast %parallel_loop3A_1376 : vector<1x16xf32> to vector<16xf32>
      %parallel_loop3A_1378 = arith.constant 8 : i32
      %parallel_loop3A_1379 = arith.muli %parallel_loop3A_507, %parallel_loop3A_1378 : i32
      %parallel_loop3A_1380 = arith.constant 7 : i32
      %parallel_loop3A_1381 = arith.addi %parallel_loop3A_1379, %parallel_loop3A_1380 : i32
      %parallel_loop3A_1382 = arith.index_cast %parallel_loop3A_1381 : i32 to index
      %parallel_loop3A_1383 = arith.constant 16 : index
      %parallel_loop3A_1384 = tpu.vector_load %arg5[%parallel_loop3A_1382, %parallel_loop3A_1383] {strides = array<i32>} : memref<500x128xf32, #tpu.memory_space<vmem>>, vector<1x16xf32>,
      %parallel_loop3A_1385 = vector.shape_cast %parallel_loop3A_1384 : vector<1x16xf32> to vector<16xf32>
      %parallel_loop3A_1386 = arith.constant 8 : i32
      %parallel_loop3A_1387 = arith.muli %parallel_loop3A_507, %parallel_loop3A_1386 : i32
      %parallel_loop3A_1388 = arith.constant 7 : i32
      %parallel_loop3A_1389 = arith.addi %parallel_loop3A_1387, %parallel_loop3A_1388 : i32
      %parallel_loop3A_1390 = arith.index_cast %parallel_loop3A_1389 : i32 to index
      %parallel_loop3A_1391 = arith.constant 32 : index
      %parallel_loop3A_1392 = tpu.vector_load %arg5[%parallel_loop3A_1390, %parallel_loop3A_1391] {strides = array<i32>} : memref<500x128xf32, #tpu.memory_space<vmem>>, vector<1x16xf32>,
      %parallel_loop3A_1393 = vector.shape_cast %parallel_loop3A_1392 : vector<1x16xf32> to vector<16xf32>
      %parallel_loop3A_1394 = arith.constant 8 : i32
      %parallel_loop3A_1395 = arith.muli %parallel_loop3A_507, %parallel_loop3A_1394 : i32
      %parallel_loop3A_1396 = arith.constant 7 : i32
      %parallel_loop3A_1397 = arith.addi %parallel_loop3A_1395, %parallel_loop3A_1396 : i32
      %parallel_loop3A_1398 = arith.index_cast %parallel_loop3A_1397 : i32 to index
      %parallel_loop3A_1399 = arith.constant 48 : index
      %parallel_loop3A_1400 = tpu.vector_load %arg5[%parallel_loop3A_1398, %parallel_loop3A_1399] {strides = array<i32>} : memref<500x128xf32, #tpu.memory_space<vmem>>, vector<1x16xf32>,
      %parallel_loop3A_1401 = vector.shape_cast %parallel_loop3A_1400 : vector<1x16xf32> to vector<16xf32>
      %parallel_loop3A_1402 = vector.extract_strided_slice %parallel_loop3A_522 {offsets = [14], sizes = [1], strides = [1]} : vector<16xf32> to vector<1xf32>
      %parallel_loop3A_1403 = vector.extract %parallel_loop3A_1402[0] : f32 from vector<1xf32>
      %parallel_loop3A_1404 = vector.broadcast %parallel_loop3A_1403 : f32 to vector<16xf32>
      %parallel_loop3A_1405 = arith.mulf %parallel_loop3A_1404, %parallel_loop3A_1377 : vector<16xf32>
      %parallel_loop3A_1406 = arith.addf %parallel_loop3A_1346, %parallel_loop3A_1405 : vector<16xf32>
      %parallel_loop3A_1407 = vector.broadcast %parallel_loop3A_1403 : f32 to vector<16xf32>
      %parallel_loop3A_1408 = arith.mulf %parallel_loop3A_1407, %parallel_loop3A_1385 : vector<16xf32>
      %parallel_loop3A_1409 = arith.addf %parallel_loop3A_1349, %parallel_loop3A_1408 : vector<16xf32>
      %parallel_loop3A_1410 = vector.broadcast %parallel_loop3A_1403 : f32 to vector<16xf32>
      %parallel_loop3A_1411 = arith.mulf %parallel_loop3A_1410, %parallel_loop3A_1393 : vector<16xf32>
      %parallel_loop3A_1412 = arith.addf %parallel_loop3A_1352, %parallel_loop3A_1411 : vector<16xf32>
      %parallel_loop3A_1413 = vector.broadcast %parallel_loop3A_1403 : f32 to vector<16xf32>
      %parallel_loop3A_1414 = arith.mulf %parallel_loop3A_1413, %parallel_loop3A_1401 : vector<16xf32>
      %parallel_loop3A_1415 = arith.addf %parallel_loop3A_1355, %parallel_loop3A_1414 : vector<16xf32>
      %parallel_loop3A_1416 = vector.extract_strided_slice %parallel_loop3A_529 {offsets = [14], sizes = [1], strides = [1]} : vector<16xf32> to vector<1xf32>
      %parallel_loop3A_1417 = vector.extract %parallel_loop3A_1416[0] : f32 from vector<1xf32>
      %parallel_loop3A_1418 = vector.broadcast %parallel_loop3A_1417 : f32 to vector<16xf32>
      %parallel_loop3A_1419 = arith.mulf %parallel_loop3A_1418, %parallel_loop3A_1377 : vector<16xf32>
      %parallel_loop3A_1420 = arith.addf %parallel_loop3A_1360, %parallel_loop3A_1419 : vector<16xf32>
      %parallel_loop3A_1421 = vector.broadcast %parallel_loop3A_1417 : f32 to vector<16xf32>
      %parallel_loop3A_1422 = arith.mulf %parallel_loop3A_1421, %parallel_loop3A_1385 : vector<16xf32>
      %parallel_loop3A_1423 = arith.addf %parallel_loop3A_1363, %parallel_loop3A_1422 : vector<16xf32>
      %parallel_loop3A_1424 = vector.broadcast %parallel_loop3A_1417 : f32 to vector<16xf32>
      %parallel_loop3A_1425 = arith.mulf %parallel_loop3A_1424, %parallel_loop3A_1393 : vector<16xf32>
      %parallel_loop3A_1426 = arith.addf %parallel_loop3A_1366, %parallel_loop3A_1425 : vector<16xf32>
      %parallel_loop3A_1427 = vector.broadcast %parallel_loop3A_1417 : f32 to vector<16xf32>
      %parallel_loop3A_1428 = arith.mulf %parallel_loop3A_1427, %parallel_loop3A_1401 : vector<16xf32>
      %parallel_loop3A_1429 = arith.addf %parallel_loop3A_1369, %parallel_loop3A_1428 : vector<16xf32>
      %parallel_loop3A_1430 = arith.constant 8 : i32
      %parallel_loop3A_1431 = arith.muli %parallel_loop3A_507, %parallel_loop3A_1430 : i32
      %parallel_loop3A_1432 = arith.constant 7 : i32
      %parallel_loop3A_1433 = arith.addi %parallel_loop3A_1431, %parallel_loop3A_1432 : i32
      %parallel_loop3A_1434 = arith.index_cast %parallel_loop3A_1433 : i32 to index
      %parallel_loop3A_1435 = arith.constant 64 : index
      %parallel_loop3A_1436 = tpu.vector_load %arg5[%parallel_loop3A_1434, %parallel_loop3A_1435] {strides = array<i32>} : memref<500x128xf32, #tpu.memory_space<vmem>>, vector<1x16xf32>,
      %parallel_loop3A_1437 = vector.shape_cast %parallel_loop3A_1436 : vector<1x16xf32> to vector<16xf32>
      %parallel_loop3A_1438 = arith.constant 8 : i32
      %parallel_loop3A_1439 = arith.muli %parallel_loop3A_507, %parallel_loop3A_1438 : i32
      %parallel_loop3A_1440 = arith.constant 7 : i32
      %parallel_loop3A_1441 = arith.addi %parallel_loop3A_1439, %parallel_loop3A_1440 : i32
      %parallel_loop3A_1442 = arith.index_cast %parallel_loop3A_1441 : i32 to index
      %parallel_loop3A_1443 = arith.constant 80 : index
      %parallel_loop3A_1444 = tpu.vector_load %arg5[%parallel_loop3A_1442, %parallel_loop3A_1443] {strides = array<i32>} : memref<500x128xf32, #tpu.memory_space<vmem>>, vector<1x16xf32>,
      %parallel_loop3A_1445 = vector.shape_cast %parallel_loop3A_1444 : vector<1x16xf32> to vector<16xf32>
      %parallel_loop3A_1446 = arith.constant 8 : i32
      %parallel_loop3A_1447 = arith.muli %parallel_loop3A_507, %parallel_loop3A_1446 : i32
      %parallel_loop3A_1448 = arith.constant 7 : i32
      %parallel_loop3A_1449 = arith.addi %parallel_loop3A_1447, %parallel_loop3A_1448 : i32
      %parallel_loop3A_1450 = arith.index_cast %parallel_loop3A_1449 : i32 to index
      %parallel_loop3A_1451 = arith.constant 96 : index
      %parallel_loop3A_1452 = tpu.vector_load %arg5[%parallel_loop3A_1450, %parallel_loop3A_1451] {strides = array<i32>} : memref<500x128xf32, #tpu.memory_space<vmem>>, vector<1x16xf32>,
      %parallel_loop3A_1453 = vector.shape_cast %parallel_loop3A_1452 : vector<1x16xf32> to vector<16xf32>
      %parallel_loop3A_1454 = arith.constant 8 : i32
      %parallel_loop3A_1455 = arith.muli %parallel_loop3A_507, %parallel_loop3A_1454 : i32
      %parallel_loop3A_1456 = arith.constant 7 : i32
      %parallel_loop3A_1457 = arith.addi %parallel_loop3A_1455, %parallel_loop3A_1456 : i32
      %parallel_loop3A_1458 = arith.index_cast %parallel_loop3A_1457 : i32 to index
      %parallel_loop3A_1459 = arith.constant 112 : index
      %parallel_loop3A_1460 = tpu.vector_load %arg5[%parallel_loop3A_1458, %parallel_loop3A_1459] {strides = array<i32>} : memref<500x128xf32, #tpu.memory_space<vmem>>, vector<1x16xf32>,
      %parallel_loop3A_1461 = vector.shape_cast %parallel_loop3A_1460 : vector<1x16xf32> to vector<16xf32>
      %parallel_loop3A_1462 = vector.extract_strided_slice %parallel_loop3A_522 {offsets = [15], sizes = [1], strides = [1]} : vector<16xf32> to vector<1xf32>
      %parallel_loop3A_1463 = vector.extract %parallel_loop3A_1462[0] : f32 from vector<1xf32>
      %parallel_loop3A_1464 = vector.broadcast %parallel_loop3A_1463 : f32 to vector<16xf32>
      %parallel_loop3A_1465 = arith.mulf %parallel_loop3A_1464, %parallel_loop3A_1437 : vector<16xf32>
      %parallel_loop3A_1466 = arith.addf %parallel_loop3A_1406, %parallel_loop3A_1465 : vector<16xf32>
      %parallel_loop3A_1467 = vector.broadcast %parallel_loop3A_1463 : f32 to vector<16xf32>
      %parallel_loop3A_1468 = arith.mulf %parallel_loop3A_1467, %parallel_loop3A_1445 : vector<16xf32>
      %parallel_loop3A_1469 = arith.addf %parallel_loop3A_1409, %parallel_loop3A_1468 : vector<16xf32>
      %parallel_loop3A_1470 = vector.broadcast %parallel_loop3A_1463 : f32 to vector<16xf32>
      %parallel_loop3A_1471 = arith.mulf %parallel_loop3A_1470, %parallel_loop3A_1453 : vector<16xf32>
      %parallel_loop3A_1472 = arith.addf %parallel_loop3A_1412, %parallel_loop3A_1471 : vector<16xf32>
      %parallel_loop3A_1473 = vector.broadcast %parallel_loop3A_1463 : f32 to vector<16xf32>
      %parallel_loop3A_1474 = arith.mulf %parallel_loop3A_1473, %parallel_loop3A_1461 : vector<16xf32>
      %parallel_loop3A_1475 = arith.addf %parallel_loop3A_1415, %parallel_loop3A_1474 : vector<16xf32>
      %parallel_loop3A_1476 = vector.extract_strided_slice %parallel_loop3A_529 {offsets = [15], sizes = [1], strides = [1]} : vector<16xf32> to vector<1xf32>
      %parallel_loop3A_1477 = vector.extract %parallel_loop3A_1476[0] : f32 from vector<1xf32>
      %parallel_loop3A_1478 = vector.broadcast %parallel_loop3A_1477 : f32 to vector<16xf32>
      %parallel_loop3A_1479 = arith.mulf %parallel_loop3A_1478, %parallel_loop3A_1437 : vector<16xf32>
      %parallel_loop3A_1480 = arith.addf %parallel_loop3A_1420, %parallel_loop3A_1479 : vector<16xf32>
      %parallel_loop3A_1481 = vector.broadcast %parallel_loop3A_1477 : f32 to vector<16xf32>
      %parallel_loop3A_1482 = arith.mulf %parallel_loop3A_1481, %parallel_loop3A_1445 : vector<16xf32>
      %parallel_loop3A_1483 = arith.addf %parallel_loop3A_1423, %parallel_loop3A_1482 : vector<16xf32>
      %parallel_loop3A_1484 = vector.broadcast %parallel_loop3A_1477 : f32 to vector<16xf32>
      %parallel_loop3A_1485 = arith.mulf %parallel_loop3A_1484, %parallel_loop3A_1453 : vector<16xf32>
      %parallel_loop3A_1486 = arith.addf %parallel_loop3A_1426, %parallel_loop3A_1485 : vector<16xf32>
      %parallel_loop3A_1487 = vector.broadcast %parallel_loop3A_1477 : f32 to vector<16xf32>
      %parallel_loop3A_1488 = arith.mulf %parallel_loop3A_1487, %parallel_loop3A_1461 : vector<16xf32>
      %parallel_loop3A_1489 = arith.addf %parallel_loop3A_1429, %parallel_loop3A_1488 : vector<16xf32>
      scf.yield %parallel_loop3A_1466, %parallel_loop3A_1469, %parallel_loop3A_1472, %parallel_loop3A_1475, %parallel_loop3A_1480, %parallel_loop3A_1483, %parallel_loop3A_1486, %parallel_loop3A_1489 : vector<16xf32>, vector<16xf32>, vector<16xf32>, vector<16xf32>, vector<16xf32>, vector<16xf32>, vector<16xf32>, vector<16xf32>
    } {sc.loop_unroll_factor = 4 : i64, sc.parallel_access}
    %get3A = arith.constant 0 : i32
    %get3A_21 = arith.index_cast %get3A : i32 to index
    %get3A_22 = arith.constant 984 : index
    %get3A_23 = tpu.vector_load %arg6[%get3A_21, %get3A_22] {strides = array<i32>} : memref<2x1000xf32, #tpu.memory_space<vmem>>, vector<1x16xf32>,
    %get3A_24 = vector.shape_cast %get3A_23 : vector<1x16xf32> to vector<16xf32>
    %get3A_25 = arith.constant 1 : i32
    %get3A_26 = arith.index_cast %get3A_25 : i32 to index
    %get3A_27 = arith.constant 984 : index
    %get3A_28 = tpu.vector_load %arg6[%get3A_26, %get3A_27] {strides = array<i32>} : memref<2x1000xf32, #tpu.memory_space<vmem>>, vector<1x16xf32>,
    %get3A_29 = vector.shape_cast %get3A_28 : vector<1x16xf32> to vector<16xf32>
    %get3A_30 = arith.constant 496 : i32
    %get3A_31 = arith.index_cast %get3A_30 : i32 to index
    %get3A_32 = arith.constant 0 : index
    %get3A_33 = tpu.vector_load %arg5[%get3A_31, %get3A_32] {strides = array<i32>} : memref<500x128xf32, #tpu.memory_space<vmem>>, vector<1x16xf32>,
    %get3A_34 = vector.shape_cast %get3A_33 : vector<1x16xf32> to vector<16xf32>
    %get3A_35 = arith.constant 496 : i32
    %get3A_36 = arith.index_cast %get3A_35 : i32 to index
    %get3A_37 = arith.constant 16 : index
    %get3A_38 = tpu.vector_load %arg5[%get3A_36, %get3A_37] {strides = array<i32>} : memref<500x128xf32, #tpu.memory_space<vmem>>, vector<1x16xf32>,
    %get3A_39 = vector.shape_cast %get3A_38 : vector<1x16xf32> to vector<16xf32>
    %get3A_40 = arith.constant 496 : i32
    %get3A_41 = arith.index_cast %get3A_40 : i32 to index
    %get3A_42 = arith.constant 32 : index
    %get3A_43 = tpu.vector_load %arg5[%get3A_41, %get3A_42] {strides = array<i32>} : memref<500x128xf32, #tpu.memory_space<vmem>>, vector<1x16xf32>,
    %get3A_44 = vector.shape_cast %get3A_43 : vector<1x16xf32> to vector<16xf32>
    %get3A_45 = arith.constant 496 : i32
    %get3A_46 = arith.index_cast %get3A_45 : i32 to index
    %get3A_47 = arith.constant 48 : index
    %get3A_48 = tpu.vector_load %arg5[%get3A_46, %get3A_47] {strides = array<i32>} : memref<500x128xf32, #tpu.memory_space<vmem>>, vector<1x16xf32>,
    %get3A_49 = vector.shape_cast %get3A_48 : vector<1x16xf32> to vector<16xf32>
    %slice3A = vector.extract_strided_slice %get3A_24 {offsets = [8], sizes = [1], strides = [1]} : vector<16xf32> to vector<1xf32>
    %squeeze3A = vector.extract %slice3A[0] : f32 from vector<1xf32>
    %mul3A_50 = vector.broadcast %squeeze3A : f32 to vector<16xf32>
    %mul3A_51 = arith.mulf %mul3A_50, %get3A_34 : vector<16xf32>
    %add3A_52 = arith.addf %parallel_loop3A_20#0, %mul3A_51 : vector<16xf32>
    %mul3A_53 = vector.broadcast %squeeze3A : f32 to vector<16xf32>
    %mul3A_54 = arith.mulf %mul3A_53, %get3A_39 : vector<16xf32>
    %add3A_55 = arith.addf %parallel_loop3A_20#1, %mul3A_54 : vector<16xf32>
    %mul3A_56 = vector.broadcast %squeeze3A : f32 to vector<16xf32>
    %mul3A_57 = arith.mulf %mul3A_56, %get3A_44 : vector<16xf32>
    %add3A_58 = arith.addf %parallel_loop3A_20#2, %mul3A_57 : vector<16xf32>
    %mul3A_59 = vector.broadcast %squeeze3A : f32 to vector<16xf32>
    %mul3A_60 = arith.mulf %mul3A_59, %get3A_49 : vector<16xf32>
    %add3A_61 = arith.addf %parallel_loop3A_20#3, %mul3A_60 : vector<16xf32>
    %slice3A_62 = vector.extract_strided_slice %get3A_29 {offsets = [8], sizes = [1], strides = [1]} : vector<16xf32> to vector<1xf32>
    %squeeze3A_63 = vector.extract %slice3A_62[0] : f32 from vector<1xf32>
    %mul3A_64 = vector.broadcast %squeeze3A_63 : f32 to vector<16xf32>
    %mul3A_65 = arith.mulf %mul3A_64, %get3A_34 : vector<16xf32>
    %add3A_66 = arith.addf %parallel_loop3A_20#4, %mul3A_65 : vector<16xf32>
    %mul3A_67 = vector.broadcast %squeeze3A_63 : f32 to vector<16xf32>
    %mul3A_68 = arith.mulf %mul3A_67, %get3A_39 : vector<16xf32>
    %add3A_69 = arith.addf %parallel_loop3A_20#5, %mul3A_68 : vector<16xf32>
    %mul3A_70 = vector.broadcast %squeeze3A_63 : f32 to vector<16xf32>
    %mul3A_71 = arith.mulf %mul3A_70, %get3A_44 : vector<16xf32>
    %add3A_72 = arith.addf %parallel_loop3A_20#6, %mul3A_71 : vector<16xf32>
    %mul3A_73 = vector.broadcast %squeeze3A_63 : f32 to vector<16xf32>
    %mul3A_74 = arith.mulf %mul3A_73, %get3A_49 : vector<16xf32>
    %add3A_75 = arith.addf %parallel_loop3A_20#7, %mul3A_74 : vector<16xf32>
    %get3A_76 = arith.constant 496 : i32
    %get3A_77 = arith.index_cast %get3A_76 : i32 to index
    %get3A_78 = arith.constant 64 : index
    %get3A_79 = tpu.vector_load %arg5[%get3A_77, %get3A_78] {strides = array<i32>} : memref<500x128xf32, #tpu.memory_space<vmem>>, vector<1x16xf32>,
    %get3A_80 = vector.shape_cast %get3A_79 : vector<1x16xf32> to vector<16xf32>
    %get3A_81 = arith.constant 496 : i32
    %get3A_82 = arith.index_cast %get3A_81 : i32 to index
    %get3A_83 = arith.constant 80 : index
    %get3A_84 = tpu.vector_load %arg5[%get3A_82, %get3A_83] {strides = array<i32>} : memref<500x128xf32, #tpu.memory_space<vmem>>, vector<1x16xf32>,
    %get3A_85 = vector.shape_cast %get3A_84 : vector<1x16xf32> to vector<16xf32>
    %get3A_86 = arith.constant 496 : i32
    %get3A_87 = arith.index_cast %get3A_86 : i32 to index
    %get3A_88 = arith.constant 96 : index
    %get3A_89 = tpu.vector_load %arg5[%get3A_87, %get3A_88] {strides = array<i32>} : memref<500x128xf32, #tpu.memory_space<vmem>>, vector<1x16xf32>,
    %get3A_90 = vector.shape_cast %get3A_89 : vector<1x16xf32> to vector<16xf32>
    %get3A_91 = arith.constant 496 : i32
    %get3A_92 = arith.index_cast %get3A_91 : i32 to index
    %get3A_93 = arith.constant 112 : index
    %get3A_94 = tpu.vector_load %arg5[%get3A_92, %get3A_93] {strides = array<i32>} : memref<500x128xf32, #tpu.memory_space<vmem>>, vector<1x16xf32>,
    %get3A_95 = vector.shape_cast %get3A_94 : vector<1x16xf32> to vector<16xf32>
    %slice3A_96 = vector.extract_strided_slice %get3A_24 {offsets = [9], sizes = [1], strides = [1]} : vector<16xf32> to vector<1xf32>
    %squeeze3A_97 = vector.extract %slice3A_96[0] : f32 from vector<1xf32>
    %mul3A_98 = vector.broadcast %squeeze3A_97 : f32 to vector<16xf32>
    %mul3A_99 = arith.mulf %mul3A_98, %get3A_80 : vector<16xf32>
    %add3A_100 = arith.addf %add3A_52, %mul3A_99 : vector<16xf32>
    %mul3A_101 = vector.broadcast %squeeze3A_97 : f32 to vector<16xf32>
    %mul3A_102 = arith.mulf %mul3A_101, %get3A_85 : vector<16xf32>
    %add3A_103 = arith.addf %add3A_55, %mul3A_102 : vector<16xf32>
    %mul3A_104 = vector.broadcast %squeeze3A_97 : f32 to vector<16xf32>
    %mul3A_105 = arith.mulf %mul3A_104, %get3A_90 : vector<16xf32>
    %add3A_106 = arith.addf %add3A_58, %mul3A_105 : vector<16xf32>
    %mul3A_107 = vector.broadcast %squeeze3A_97 : f32 to vector<16xf32>
    %mul3A_108 = arith.mulf %mul3A_107, %get3A_95 : vector<16xf32>
    %add3A_109 = arith.addf %add3A_61, %mul3A_108 : vector<16xf32>
    %slice3A_110 = vector.extract_strided_slice %get3A_29 {offsets = [9], sizes = [1], strides = [1]} : vector<16xf32> to vector<1xf32>
    %squeeze3A_111 = vector.extract %slice3A_110[0] : f32 from vector<1xf32>
    %mul3A_112 = vector.broadcast %squeeze3A_111 : f32 to vector<16xf32>
    %mul3A_113 = arith.mulf %mul3A_112, %get3A_80 : vector<16xf32>
    %add3A_114 = arith.addf %add3A_66, %mul3A_113 : vector<16xf32>
    %mul3A_115 = vector.broadcast %squeeze3A_111 : f32 to vector<16xf32>
    %mul3A_116 = arith.mulf %mul3A_115, %get3A_85 : vector<16xf32>
    %add3A_117 = arith.addf %add3A_69, %mul3A_116 : vector<16xf32>
    %mul3A_118 = vector.broadcast %squeeze3A_111 : f32 to vector<16xf32>
    %mul3A_119 = arith.mulf %mul3A_118, %get3A_90 : vector<16xf32>
    %add3A_120 = arith.addf %add3A_72, %mul3A_119 : vector<16xf32>
    %mul3A_121 = vector.broadcast %squeeze3A_111 : f32 to vector<16xf32>
    %mul3A_122 = arith.mulf %mul3A_121, %get3A_95 : vector<16xf32>
    %add3A_123 = arith.addf %add3A_75, %mul3A_122 : vector<16xf32>
    %get3A_124 = arith.constant 497 : i32
    %get3A_125 = arith.index_cast %get3A_124 : i32 to index
    %get3A_126 = arith.constant 0 : index
    %get3A_127 = tpu.vector_load %arg5[%get3A_125, %get3A_126] {strides = array<i32>} : memref<500x128xf32, #tpu.memory_space<vmem>>, vector<1x16xf32>,
    %get3A_128 = vector.shape_cast %get3A_127 : vector<1x16xf32> to vector<16xf32>
    %get3A_129 = arith.constant 497 : i32
    %get3A_130 = arith.index_cast %get3A_129 : i32 to index
    %get3A_131 = arith.constant 16 : index
    %get3A_132 = tpu.vector_load %arg5[%get3A_130, %get3A_131] {strides = array<i32>} : memref<500x128xf32, #tpu.memory_space<vmem>>, vector<1x16xf32>,
    %get3A_133 = vector.shape_cast %get3A_132 : vector<1x16xf32> to vector<16xf32>
    %get3A_134 = arith.constant 497 : i32
    %get3A_135 = arith.index_cast %get3A_134 : i32 to index
    %get3A_136 = arith.constant 32 : index
    %get3A_137 = tpu.vector_load %arg5[%get3A_135, %get3A_136] {strides = array<i32>} : memref<500x128xf32, #tpu.memory_space<vmem>>, vector<1x16xf32>,
    %get3A_138 = vector.shape_cast %get3A_137 : vector<1x16xf32> to vector<16xf32>
    %get3A_139 = arith.constant 497 : i32
    %get3A_140 = arith.index_cast %get3A_139 : i32 to index
    %get3A_141 = arith.constant 48 : index
    %get3A_142 = tpu.vector_load %arg5[%get3A_140, %get3A_141] {strides = array<i32>} : memref<500x128xf32, #tpu.memory_space<vmem>>, vector<1x16xf32>,
    %get3A_143 = vector.shape_cast %get3A_142 : vector<1x16xf32> to vector<16xf32>
    %slice3A_144 = vector.extract_strided_slice %get3A_24 {offsets = [10], sizes = [1], strides = [1]} : vector<16xf32> to vector<1xf32>
    %squeeze3A_145 = vector.extract %slice3A_144[0] : f32 from vector<1xf32>
    %mul3A_146 = vector.broadcast %squeeze3A_145 : f32 to vector<16xf32>
    %mul3A_147 = arith.mulf %mul3A_146, %get3A_128 : vector<16xf32>
    %add3A_148 = arith.addf %add3A_100, %mul3A_147 : vector<16xf32>
    %mul3A_149 = vector.broadcast %squeeze3A_145 : f32 to vector<16xf32>
    %mul3A_150 = arith.mulf %mul3A_149, %get3A_133 : vector<16xf32>
    %add3A_151 = arith.addf %add3A_103, %mul3A_150 : vector<16xf32>
    %mul3A_152 = vector.broadcast %squeeze3A_145 : f32 to vector<16xf32>
    %mul3A_153 = arith.mulf %mul3A_152, %get3A_138 : vector<16xf32>
    %add3A_154 = arith.addf %add3A_106, %mul3A_153 : vector<16xf32>
    %mul3A_155 = vector.broadcast %squeeze3A_145 : f32 to vector<16xf32>
    %mul3A_156 = arith.mulf %mul3A_155, %get3A_143 : vector<16xf32>
    %add3A_157 = arith.addf %add3A_109, %mul3A_156 : vector<16xf32>
    %slice3A_158 = vector.extract_strided_slice %get3A_29 {offsets = [10], sizes = [1], strides = [1]} : vector<16xf32> to vector<1xf32>
    %squeeze3A_159 = vector.extract %slice3A_158[0] : f32 from vector<1xf32>
    %mul3A_160 = vector.broadcast %squeeze3A_159 : f32 to vector<16xf32>
    %mul3A_161 = arith.mulf %mul3A_160, %get3A_128 : vector<16xf32>
    %add3A_162 = arith.addf %add3A_114, %mul3A_161 : vector<16xf32>
    %mul3A_163 = vector.broadcast %squeeze3A_159 : f32 to vector<16xf32>
    %mul3A_164 = arith.mulf %mul3A_163, %get3A_133 : vector<16xf32>
    %add3A_165 = arith.addf %add3A_117, %mul3A_164 : vector<16xf32>
    %mul3A_166 = vector.broadcast %squeeze3A_159 : f32 to vector<16xf32>
    %mul3A_167 = arith.mulf %mul3A_166, %get3A_138 : vector<16xf32>
    %add3A_168 = arith.addf %add3A_120, %mul3A_167 : vector<16xf32>
    %mul3A_169 = vector.broadcast %squeeze3A_159 : f32 to vector<16xf32>
    %mul3A_170 = arith.mulf %mul3A_169, %get3A_143 : vector<16xf32>
    %add3A_171 = arith.addf %add3A_123, %mul3A_170 : vector<16xf32>
    %get3A_172 = arith.constant 497 : i32
    %get3A_173 = arith.index_cast %get3A_172 : i32 to index
    %get3A_174 = arith.constant 64 : index
    %get3A_175 = tpu.vector_load %arg5[%get3A_173, %get3A_174] {strides = array<i32>} : memref<500x128xf32, #tpu.memory_space<vmem>>, vector<1x16xf32>,
    %get3A_176 = vector.shape_cast %get3A_175 : vector<1x16xf32> to vector<16xf32>
    %get3A_177 = arith.constant 497 : i32
    %get3A_178 = arith.index_cast %get3A_177 : i32 to index
    %get3A_179 = arith.constant 80 : index
    %get3A_180 = tpu.vector_load %arg5[%get3A_178, %get3A_179] {strides = array<i32>} : memref<500x128xf32, #tpu.memory_space<vmem>>, vector<1x16xf32>,
    %get3A_181 = vector.shape_cast %get3A_180 : vector<1x16xf32> to vector<16xf32>
    %get3A_182 = arith.constant 497 : i32
    %get3A_183 = arith.index_cast %get3A_182 : i32 to index
    %get3A_184 = arith.constant 96 : index
    %get3A_185 = tpu.vector_load %arg5[%get3A_183, %get3A_184] {strides = array<i32>} : memref<500x128xf32, #tpu.memory_space<vmem>>, vector<1x16xf32>,
    %get3A_186 = vector.shape_cast %get3A_185 : vector<1x16xf32> to vector<16xf32>
    %get3A_187 = arith.constant 497 : i32
    %get3A_188 = arith.index_cast %get3A_187 : i32 to index
    %get3A_189 = arith.constant 112 : index
    %get3A_190 = tpu.vector_load %arg5[%get3A_188, %get3A_189] {strides = array<i32>} : memref<500x128xf32, #tpu.memory_space<vmem>>, vector<1x16xf32>,
    %get3A_191 = vector.shape_cast %get3A_190 : vector<1x16xf32> to vector<16xf32>
    %slice3A_192 = vector.extract_strided_slice %get3A_24 {offsets = [11], sizes = [1], strides = [1]} : vector<16xf32> to vector<1xf32>
    %squeeze3A_193 = vector.extract %slice3A_192[0] : f32 from vector<1xf32>
    %mul3A_194 = vector.broadcast %squeeze3A_193 : f32 to vector<16xf32>
    %mul3A_195 = arith.mulf %mul3A_194, %get3A_176 : vector<16xf32>
    %add3A_196 = arith.addf %add3A_148, %mul3A_195 : vector<16xf32>
    %mul3A_197 = vector.broadcast %squeeze3A_193 : f32 to vector<16xf32>
    %mul3A_198 = arith.mulf %mul3A_197, %get3A_181 : vector<16xf32>
    %add3A_199 = arith.addf %add3A_151, %mul3A_198 : vector<16xf32>
    %mul3A_200 = vector.broadcast %squeeze3A_193 : f32 to vector<16xf32>
    %mul3A_201 = arith.mulf %mul3A_200, %get3A_186 : vector<16xf32>
    %add3A_202 = arith.addf %add3A_154, %mul3A_201 : vector<16xf32>
    %mul3A_203 = vector.broadcast %squeeze3A_193 : f32 to vector<16xf32>
    %mul3A_204 = arith.mulf %mul3A_203, %get3A_191 : vector<16xf32>
    %add3A_205 = arith.addf %add3A_157, %mul3A_204 : vector<16xf32>
    %slice3A_206 = vector.extract_strided_slice %get3A_29 {offsets = [11], sizes = [1], strides = [1]} : vector<16xf32> to vector<1xf32>
    %squeeze3A_207 = vector.extract %slice3A_206[0] : f32 from vector<1xf32>
    %mul3A_208 = vector.broadcast %squeeze3A_207 : f32 to vector<16xf32>
    %mul3A_209 = arith.mulf %mul3A_208, %get3A_176 : vector<16xf32>
    %add3A_210 = arith.addf %add3A_162, %mul3A_209 : vector<16xf32>
    %mul3A_211 = vector.broadcast %squeeze3A_207 : f32 to vector<16xf32>
    %mul3A_212 = arith.mulf %mul3A_211, %get3A_181 : vector<16xf32>
    %add3A_213 = arith.addf %add3A_165, %mul3A_212 : vector<16xf32>
    %mul3A_214 = vector.broadcast %squeeze3A_207 : f32 to vector<16xf32>
    %mul3A_215 = arith.mulf %mul3A_214, %get3A_186 : vector<16xf32>
    %add3A_216 = arith.addf %add3A_168, %mul3A_215 : vector<16xf32>
    %mul3A_217 = vector.broadcast %squeeze3A_207 : f32 to vector<16xf32>
    %mul3A_218 = arith.mulf %mul3A_217, %get3A_191 : vector<16xf32>
    %add3A_219 = arith.addf %add3A_171, %mul3A_218 : vector<16xf32>
    %get3A_220 = arith.constant 498 : i32
    %get3A_221 = arith.index_cast %get3A_220 : i32 to index
    %get3A_222 = arith.constant 0 : index
    %get3A_223 = tpu.vector_load %arg5[%get3A_221, %get3A_222] {strides = array<i32>} : memref<500x128xf32, #tpu.memory_space<vmem>>, vector<1x16xf32>,
    %get3A_224 = vector.shape_cast %get3A_223 : vector<1x16xf32> to vector<16xf32>
    %get3A_225 = arith.constant 498 : i32
    %get3A_226 = arith.index_cast %get3A_225 : i32 to index
    %get3A_227 = arith.constant 16 : index
    %get3A_228 = tpu.vector_load %arg5[%get3A_226, %get3A_227] {strides = array<i32>} : memref<500x128xf32, #tpu.memory_space<vmem>>, vector<1x16xf32>,
    %get3A_229 = vector.shape_cast %get3A_228 : vector<1x16xf32> to vector<16xf32>
    %get3A_230 = arith.constant 498 : i32
    %get3A_231 = arith.index_cast %get3A_230 : i32 to index
    %get3A_232 = arith.constant 32 : index
    %get3A_233 = tpu.vector_load %arg5[%get3A_231, %get3A_232] {strides = array<i32>} : memref<500x128xf32, #tpu.memory_space<vmem>>, vector<1x16xf32>,
    %get3A_234 = vector.shape_cast %get3A_233 : vector<1x16xf32> to vector<16xf32>
    %get3A_235 = arith.constant 498 : i32
    %get3A_236 = arith.index_cast %get3A_235 : i32 to index
    %get3A_237 = arith.constant 48 : index
    %get3A_238 = tpu.vector_load %arg5[%get3A_236, %get3A_237] {strides = array<i32>} : memref<500x128xf32, #tpu.memory_space<vmem>>, vector<1x16xf32>,
    %get3A_239 = vector.shape_cast %get3A_238 : vector<1x16xf32> to vector<16xf32>
    %slice3A_240 = vector.extract_strided_slice %get3A_24 {offsets = [12], sizes = [1], strides = [1]} : vector<16xf32> to vector<1xf32>
    %squeeze3A_241 = vector.extract %slice3A_240[0] : f32 from vector<1xf32>
    %mul3A_242 = vector.broadcast %squeeze3A_241 : f32 to vector<16xf32>
    %mul3A_243 = arith.mulf %mul3A_242, %get3A_224 : vector<16xf32>
    %add3A_244 = arith.addf %add3A_196, %mul3A_243 : vector<16xf32>
    %mul3A_245 = vector.broadcast %squeeze3A_241 : f32 to vector<16xf32>
    %mul3A_246 = arith.mulf %mul3A_245, %get3A_229 : vector<16xf32>
    %add3A_247 = arith.addf %add3A_199, %mul3A_246 : vector<16xf32>
    %mul3A_248 = vector.broadcast %squeeze3A_241 : f32 to vector<16xf32>
    %mul3A_249 = arith.mulf %mul3A_248, %get3A_234 : vector<16xf32>
    %add3A_250 = arith.addf %add3A_202, %mul3A_249 : vector<16xf32>
    %mul3A_251 = vector.broadcast %squeeze3A_241 : f32 to vector<16xf32>
    %mul3A_252 = arith.mulf %mul3A_251, %get3A_239 : vector<16xf32>
    %add3A_253 = arith.addf %add3A_205, %mul3A_252 : vector<16xf32>
    %slice3A_254 = vector.extract_strided_slice %get3A_29 {offsets = [12], sizes = [1], strides = [1]} : vector<16xf32> to vector<1xf32>
    %squeeze3A_255 = vector.extract %slice3A_254[0] : f32 from vector<1xf32>
    %mul3A_256 = vector.broadcast %squeeze3A_255 : f32 to vector<16xf32>
    %mul3A_257 = arith.mulf %mul3A_256, %get3A_224 : vector<16xf32>
    %add3A_258 = arith.addf %add3A_210, %mul3A_257 : vector<16xf32>
    %mul3A_259 = vector.broadcast %squeeze3A_255 : f32 to vector<16xf32>
    %mul3A_260 = arith.mulf %mul3A_259, %get3A_229 : vector<16xf32>
    %add3A_261 = arith.addf %add3A_213, %mul3A_260 : vector<16xf32>
    %mul3A_262 = vector.broadcast %squeeze3A_255 : f32 to vector<16xf32>
    %mul3A_263 = arith.mulf %mul3A_262, %get3A_234 : vector<16xf32>
    %add3A_264 = arith.addf %add3A_216, %mul3A_263 : vector<16xf32>
    %mul3A_265 = vector.broadcast %squeeze3A_255 : f32 to vector<16xf32>
    %mul3A_266 = arith.mulf %mul3A_265, %get3A_239 : vector<16xf32>
    %add3A_267 = arith.addf %add3A_219, %mul3A_266 : vector<16xf32>
    %get3A_268 = arith.constant 498 : i32
    %get3A_269 = arith.index_cast %get3A_268 : i32 to index
    %get3A_270 = arith.constant 64 : index
    %get3A_271 = tpu.vector_load %arg5[%get3A_269, %get3A_270] {strides = array<i32>} : memref<500x128xf32, #tpu.memory_space<vmem>>, vector<1x16xf32>,
    %get3A_272 = vector.shape_cast %get3A_271 : vector<1x16xf32> to vector<16xf32>
    %get3A_273 = arith.constant 498 : i32
    %get3A_274 = arith.index_cast %get3A_273 : i32 to index
    %get3A_275 = arith.constant 80 : index
    %get3A_276 = tpu.vector_load %arg5[%get3A_274, %get3A_275] {strides = array<i32>} : memref<500x128xf32, #tpu.memory_space<vmem>>, vector<1x16xf32>,
    %get3A_277 = vector.shape_cast %get3A_276 : vector<1x16xf32> to vector<16xf32>
    %get3A_278 = arith.constant 498 : i32
    %get3A_279 = arith.index_cast %get3A_278 : i32 to index
    %get3A_280 = arith.constant 96 : index
    %get3A_281 = tpu.vector_load %arg5[%get3A_279, %get3A_280] {strides = array<i32>} : memref<500x128xf32, #tpu.memory_space<vmem>>, vector<1x16xf32>,
    %get3A_282 = vector.shape_cast %get3A_281 : vector<1x16xf32> to vector<16xf32>
    %get3A_283 = arith.constant 498 : i32
    %get3A_284 = arith.index_cast %get3A_283 : i32 to index
    %get3A_285 = arith.constant 112 : index
    %get3A_286 = tpu.vector_load %arg5[%get3A_284, %get3A_285] {strides = array<i32>} : memref<500x128xf32, #tpu.memory_space<vmem>>, vector<1x16xf32>,
    %get3A_287 = vector.shape_cast %get3A_286 : vector<1x16xf32> to vector<16xf32>
    %slice3A_288 = vector.extract_strided_slice %get3A_24 {offsets = [13], sizes = [1], strides = [1]} : vector<16xf32> to vector<1xf32>
    %squeeze3A_289 = vector.extract %slice3A_288[0] : f32 from vector<1xf32>
    %mul3A_290 = vector.broadcast %squeeze3A_289 : f32 to vector<16xf32>
    %mul3A_291 = arith.mulf %mul3A_290, %get3A_272 : vector<16xf32>
    %add3A_292 = arith.addf %add3A_244, %mul3A_291 : vector<16xf32>
    %mul3A_293 = vector.broadcast %squeeze3A_289 : f32 to vector<16xf32>
    %mul3A_294 = arith.mulf %mul3A_293, %get3A_277 : vector<16xf32>
    %add3A_295 = arith.addf %add3A_247, %mul3A_294 : vector<16xf32>
    %mul3A_296 = vector.broadcast %squeeze3A_289 : f32 to vector<16xf32>
    %mul3A_297 = arith.mulf %mul3A_296, %get3A_282 : vector<16xf32>
    %add3A_298 = arith.addf %add3A_250, %mul3A_297 : vector<16xf32>
    %mul3A_299 = vector.broadcast %squeeze3A_289 : f32 to vector<16xf32>
    %mul3A_300 = arith.mulf %mul3A_299, %get3A_287 : vector<16xf32>
    %add3A_301 = arith.addf %add3A_253, %mul3A_300 : vector<16xf32>
    %slice3A_302 = vector.extract_strided_slice %get3A_29 {offsets = [13], sizes = [1], strides = [1]} : vector<16xf32> to vector<1xf32>
    %squeeze3A_303 = vector.extract %slice3A_302[0] : f32 from vector<1xf32>
    %mul3A_304 = vector.broadcast %squeeze3A_303 : f32 to vector<16xf32>
    %mul3A_305 = arith.mulf %mul3A_304, %get3A_272 : vector<16xf32>
    %add3A_306 = arith.addf %add3A_258, %mul3A_305 : vector<16xf32>
    %mul3A_307 = vector.broadcast %squeeze3A_303 : f32 to vector<16xf32>
    %mul3A_308 = arith.mulf %mul3A_307, %get3A_277 : vector<16xf32>
    %add3A_309 = arith.addf %add3A_261, %mul3A_308 : vector<16xf32>
    %mul3A_310 = vector.broadcast %squeeze3A_303 : f32 to vector<16xf32>
    %mul3A_311 = arith.mulf %mul3A_310, %get3A_282 : vector<16xf32>
    %add3A_312 = arith.addf %add3A_264, %mul3A_311 : vector<16xf32>
    %mul3A_313 = vector.broadcast %squeeze3A_303 : f32 to vector<16xf32>
    %mul3A_314 = arith.mulf %mul3A_313, %get3A_287 : vector<16xf32>
    %add3A_315 = arith.addf %add3A_267, %mul3A_314 : vector<16xf32>
    %get3A_316 = arith.constant 499 : i32
    %get3A_317 = arith.index_cast %get3A_316 : i32 to index
    %get3A_318 = arith.constant 0 : index
    %get3A_319 = tpu.vector_load %arg5[%get3A_317, %get3A_318] {strides = array<i32>} : memref<500x128xf32, #tpu.memory_space<vmem>>, vector<1x16xf32>,
    %get3A_320 = vector.shape_cast %get3A_319 : vector<1x16xf32> to vector<16xf32>
    %get3A_321 = arith.constant 499 : i32
    %get3A_322 = arith.index_cast %get3A_321 : i32 to index
    %get3A_323 = arith.constant 16 : index
    %get3A_324 = tpu.vector_load %arg5[%get3A_322, %get3A_323] {strides = array<i32>} : memref<500x128xf32, #tpu.memory_space<vmem>>, vector<1x16xf32>,
    %get3A_325 = vector.shape_cast %get3A_324 : vector<1x16xf32> to vector<16xf32>
    %get3A_326 = arith.constant 499 : i32
    %get3A_327 = arith.index_cast %get3A_326 : i32 to index
    %get3A_328 = arith.constant 32 : index
    %get3A_329 = tpu.vector_load %arg5[%get3A_327, %get3A_328] {strides = array<i32>} : memref<500x128xf32, #tpu.memory_space<vmem>>, vector<1x16xf32>,
    %get3A_330 = vector.shape_cast %get3A_329 : vector<1x16xf32> to vector<16xf32>
    %get3A_331 = arith.constant 499 : i32
    %get3A_332 = arith.index_cast %get3A_331 : i32 to index
    %get3A_333 = arith.constant 48 : index
    %get3A_334 = tpu.vector_load %arg5[%get3A_332, %get3A_333] {strides = array<i32>} : memref<500x128xf32, #tpu.memory_space<vmem>>, vector<1x16xf32>,
    %get3A_335 = vector.shape_cast %get3A_334 : vector<1x16xf32> to vector<16xf32>
    %slice3A_336 = vector.extract_strided_slice %get3A_24 {offsets = [14], sizes = [1], strides = [1]} : vector<16xf32> to vector<1xf32>
    %squeeze3A_337 = vector.extract %slice3A_336[0] : f32 from vector<1xf32>
    %mul3A_338 = vector.broadcast %squeeze3A_337 : f32 to vector<16xf32>
    %mul3A_339 = arith.mulf %mul3A_338, %get3A_320 : vector<16xf32>
    %add3A_340 = arith.addf %add3A_292, %mul3A_339 : vector<16xf32>
    %mul3A_341 = vector.broadcast %squeeze3A_337 : f32 to vector<16xf32>
    %mul3A_342 = arith.mulf %mul3A_341, %get3A_325 : vector<16xf32>
    %add3A_343 = arith.addf %add3A_295, %mul3A_342 : vector<16xf32>
    %mul3A_344 = vector.broadcast %squeeze3A_337 : f32 to vector<16xf32>
    %mul3A_345 = arith.mulf %mul3A_344, %get3A_330 : vector<16xf32>
    %add3A_346 = arith.addf %add3A_298, %mul3A_345 : vector<16xf32>
    %mul3A_347 = vector.broadcast %squeeze3A_337 : f32 to vector<16xf32>
    %mul3A_348 = arith.mulf %mul3A_347, %get3A_335 : vector<16xf32>
    %add3A_349 = arith.addf %add3A_301, %mul3A_348 : vector<16xf32>
    %slice3A_350 = vector.extract_strided_slice %get3A_29 {offsets = [14], sizes = [1], strides = [1]} : vector<16xf32> to vector<1xf32>
    %squeeze3A_351 = vector.extract %slice3A_350[0] : f32 from vector<1xf32>
    %mul3A_352 = vector.broadcast %squeeze3A_351 : f32 to vector<16xf32>
    %mul3A_353 = arith.mulf %mul3A_352, %get3A_320 : vector<16xf32>
    %add3A_354 = arith.addf %add3A_306, %mul3A_353 : vector<16xf32>
    %mul3A_355 = vector.broadcast %squeeze3A_351 : f32 to vector<16xf32>
    %mul3A_356 = arith.mulf %mul3A_355, %get3A_325 : vector<16xf32>
    %add3A_357 = arith.addf %add3A_309, %mul3A_356 : vector<16xf32>
    %mul3A_358 = vector.broadcast %squeeze3A_351 : f32 to vector<16xf32>
    %mul3A_359 = arith.mulf %mul3A_358, %get3A_330 : vector<16xf32>
    %add3A_360 = arith.addf %add3A_312, %mul3A_359 : vector<16xf32>
    %mul3A_361 = vector.broadcast %squeeze3A_351 : f32 to vector<16xf32>
    %mul3A_362 = arith.mulf %mul3A_361, %get3A_335 : vector<16xf32>
    %add3A_363 = arith.addf %add3A_315, %mul3A_362 : vector<16xf32>
    %get3A_364 = arith.constant 499 : i32
    %get3A_365 = arith.index_cast %get3A_364 : i32 to index
    %get3A_366 = arith.constant 64 : index
    %get3A_367 = tpu.vector_load %arg5[%get3A_365, %get3A_366] {strides = array<i32>} : memref<500x128xf32, #tpu.memory_space<vmem>>, vector<1x16xf32>,
    %get3A_368 = vector.shape_cast %get3A_367 : vector<1x16xf32> to vector<16xf32>
    %get3A_369 = arith.constant 499 : i32
    %get3A_370 = arith.index_cast %get3A_369 : i32 to index
    %get3A_371 = arith.constant 80 : index
    %get3A_372 = tpu.vector_load %arg5[%get3A_370, %get3A_371] {strides = array<i32>} : memref<500x128xf32, #tpu.memory_space<vmem>>, vector<1x16xf32>,
    %get3A_373 = vector.shape_cast %get3A_372 : vector<1x16xf32> to vector<16xf32>
    %get3A_374 = arith.constant 499 : i32
    %get3A_375 = arith.index_cast %get3A_374 : i32 to index
    %get3A_376 = arith.constant 96 : index
    %get3A_377 = tpu.vector_load %arg5[%get3A_375, %get3A_376] {strides = array<i32>} : memref<500x128xf32, #tpu.memory_space<vmem>>, vector<1x16xf32>,
    %get3A_378 = vector.shape_cast %get3A_377 : vector<1x16xf32> to vector<16xf32>
    %get3A_379 = arith.constant 499 : i32
    %get3A_380 = arith.index_cast %get3A_379 : i32 to index
    %get3A_381 = arith.constant 112 : index
    %get3A_382 = tpu.vector_load %arg5[%get3A_380, %get3A_381] {strides = array<i32>} : memref<500x128xf32, #tpu.memory_space<vmem>>, vector<1x16xf32>,
    %get3A_383 = vector.shape_cast %get3A_382 : vector<1x16xf32> to vector<16xf32>
    %slice3A_384 = vector.extract_strided_slice %get3A_24 {offsets = [15], sizes = [1], strides = [1]} : vector<16xf32> to vector<1xf32>
    %squeeze3A_385 = vector.extract %slice3A_384[0] : f32 from vector<1xf32>
    %mul3A_386 = vector.broadcast %squeeze3A_385 : f32 to vector<16xf32>
    %mul3A_387 = arith.mulf %mul3A_386, %get3A_368 : vector<16xf32>
    %add3A_388 = arith.addf %add3A_340, %mul3A_387 : vector<16xf32>
    %mul3A_389 = vector.broadcast %squeeze3A_385 : f32 to vector<16xf32>
    %mul3A_390 = arith.mulf %mul3A_389, %get3A_373 : vector<16xf32>
    %add3A_391 = arith.addf %add3A_343, %mul3A_390 : vector<16xf32>
    %mul3A_392 = vector.broadcast %squeeze3A_385 : f32 to vector<16xf32>
    %mul3A_393 = arith.mulf %mul3A_392, %get3A_378 : vector<16xf32>
    %add3A_394 = arith.addf %add3A_346, %mul3A_393 : vector<16xf32>
    %mul3A_395 = vector.broadcast %squeeze3A_385 : f32 to vector<16xf32>
    %mul3A_396 = arith.mulf %mul3A_395, %get3A_383 : vector<16xf32>
    %add3A_397 = arith.addf %add3A_349, %mul3A_396 : vector<16xf32>
    %slice3A_398 = vector.extract_strided_slice %get3A_29 {offsets = [15], sizes = [1], strides = [1]} : vector<16xf32> to vector<1xf32>
    %squeeze3A_399 = vector.extract %slice3A_398[0] : f32 from vector<1xf32>
    %mul3A_400 = vector.broadcast %squeeze3A_399 : f32 to vector<16xf32>
    %mul3A_401 = arith.mulf %mul3A_400, %get3A_368 : vector<16xf32>
    %add3A_402 = arith.addf %add3A_354, %mul3A_401 : vector<16xf32>
    %mul3A_403 = vector.broadcast %squeeze3A_399 : f32 to vector<16xf32>
    %mul3A_404 = arith.mulf %mul3A_403, %get3A_373 : vector<16xf32>
    %add3A_405 = arith.addf %add3A_357, %mul3A_404 : vector<16xf32>
    %mul3A_406 = vector.broadcast %squeeze3A_399 : f32 to vector<16xf32>
    %mul3A_407 = arith.mulf %mul3A_406, %get3A_378 : vector<16xf32>
    %add3A_408 = arith.addf %add3A_360, %mul3A_407 : vector<16xf32>
    %mul3A_409 = vector.broadcast %squeeze3A_399 : f32 to vector<16xf32>
    %mul3A_410 = arith.mulf %mul3A_409, %get3A_383 : vector<16xf32>
    %add3A_411 = arith.addf %add3A_363, %mul3A_410 : vector<16xf32>
    %mul3A_412 = arith.constant 0.0316227749 : f32
    %mul3A_413 = vector.broadcast %mul3A_412 : f32 to vector<16xf32>
    %mul3A_414 = arith.mulf %add3A_388, %mul3A_413 : vector<16xf32>
    %add3A_415 = arith.constant 1.000000e+00 : f32
    %add3A_416 = vector.broadcast %add3A_415 : f32 to vector<16xf32>
    %add3A_417 = arith.addf %mul3A_414, %add3A_416 : vector<16xf32>
    %swap3A = arith.constant 0 : i32
    %swap3A_418 = arith.index_cast %swap3A : i32 to index
    %swap3A_419 = arith.constant 0 : index
    %swap3A_420 = tpu.vector_load %arg7[%swap3A_418, %swap3A_419] {strides = array<i32>} : memref<2x64xf32, #tpu.memory_space<vmem>>, vector<1x16xf32>,
    %swap3A_421 = vector.shape_cast %swap3A_420 : vector<1x16xf32> to vector<16xf32>
    %swap3A_422 = vector.shape_cast %add3A_417 : vector<16xf32> to vector<1x16xf32>
    tpu.vector_store %arg7[%swap3A_418, %swap3A_419], %swap3A_422 {strides = array<i32>} : memref<2x64xf32, #tpu.memory_space<vmem>>, vector<1x16xf32>,
    %mul3A_423 = arith.constant 0.0316227749 : f32
    %mul3A_424 = vector.broadcast %mul3A_423 : f32 to vector<16xf32>
    %mul3A_425 = arith.mulf %add3A_391, %mul3A_424 : vector<16xf32>
    %add3A_426 = arith.constant 1.000000e+00 : f32
    %add3A_427 = vector.broadcast %add3A_426 : f32 to vector<16xf32>
    %add3A_428 = arith.addf %mul3A_425, %add3A_427 : vector<16xf32>
    %swap3A_429 = arith.constant 0 : i32
    %swap3A_430 = arith.index_cast %swap3A_429 : i32 to index
    %swap3A_431 = arith.constant 16 : index
    %swap3A_432 = tpu.vector_load %arg7[%swap3A_430, %swap3A_431] {strides = array<i32>} : memref<2x64xf32, #tpu.memory_space<vmem>>, vector<1x16xf32>,
    %swap3A_433 = vector.shape_cast %swap3A_432 : vector<1x16xf32> to vector<16xf32>
    %swap3A_434 = vector.shape_cast %add3A_428 : vector<16xf32> to vector<1x16xf32>
    tpu.vector_store %arg7[%swap3A_430, %swap3A_431], %swap3A_434 {strides = array<i32>} : memref<2x64xf32, #tpu.memory_space<vmem>>, vector<1x16xf32>,
    %mul3A_435 = arith.constant 0.0316227749 : f32
    %mul3A_436 = vector.broadcast %mul3A_435 : f32 to vector<16xf32>
    %mul3A_437 = arith.mulf %add3A_394, %mul3A_436 : vector<16xf32>
    %add3A_438 = arith.constant 1.000000e+00 : f32
    %add3A_439 = vector.broadcast %add3A_438 : f32 to vector<16xf32>
    %add3A_440 = arith.addf %mul3A_437, %add3A_439 : vector<16xf32>
    %swap3A_441 = arith.constant 0 : i32
    %swap3A_442 = arith.index_cast %swap3A_441 : i32 to index
    %swap3A_443 = arith.constant 32 : index
    %swap3A_444 = tpu.vector_load %arg7[%swap3A_442, %swap3A_443] {strides = array<i32>} : memref<2x64xf32, #tpu.memory_space<vmem>>, vector<1x16xf32>,
    %swap3A_445 = vector.shape_cast %swap3A_444 : vector<1x16xf32> to vector<16xf32>
    %swap3A_446 = vector.shape_cast %add3A_440 : vector<16xf32> to vector<1x16xf32>
    tpu.vector_store %arg7[%swap3A_442, %swap3A_443], %swap3A_446 {strides = array<i32>} : memref<2x64xf32, #tpu.memory_space<vmem>>, vector<1x16xf32>,
    %mul3A_447 = arith.constant 0.0316227749 : f32
    %mul3A_448 = vector.broadcast %mul3A_447 : f32 to vector<16xf32>
    %mul3A_449 = arith.mulf %add3A_397, %mul3A_448 : vector<16xf32>
    %add3A_450 = arith.constant 1.000000e+00 : f32
    %add3A_451 = vector.broadcast %add3A_450 : f32 to vector<16xf32>
    %add3A_452 = arith.addf %mul3A_449, %add3A_451 : vector<16xf32>
    %swap3A_453 = arith.constant 0 : i32
    %swap3A_454 = arith.index_cast %swap3A_453 : i32 to index
    %swap3A_455 = arith.constant 48 : index
    %swap3A_456 = tpu.vector_load %arg7[%swap3A_454, %swap3A_455] {strides = array<i32>} : memref<2x64xf32, #tpu.memory_space<vmem>>, vector<1x16xf32>,
    %swap3A_457 = vector.shape_cast %swap3A_456 : vector<1x16xf32> to vector<16xf32>
    %swap3A_458 = vector.shape_cast %add3A_452 : vector<16xf32> to vector<1x16xf32>
    tpu.vector_store %arg7[%swap3A_454, %swap3A_455], %swap3A_458 {strides = array<i32>} : memref<2x64xf32, #tpu.memory_space<vmem>>, vector<1x16xf32>,
    %mul3A_459 = arith.constant 0.0316227749 : f32
    %mul3A_460 = vector.broadcast %mul3A_459 : f32 to vector<16xf32>
    %mul3A_461 = arith.mulf %add3A_402, %mul3A_460 : vector<16xf32>
    %add3A_462 = arith.constant 1.000000e+00 : f32
    %add3A_463 = vector.broadcast %add3A_462 : f32 to vector<16xf32>
    %add3A_464 = arith.addf %mul3A_461, %add3A_463 : vector<16xf32>
    %swap3A_465 = arith.constant 1 : i32
    %swap3A_466 = arith.index_cast %swap3A_465 : i32 to index
    %swap3A_467 = arith.constant 0 : index
    %swap3A_468 = tpu.vector_load %arg7[%swap3A_466, %swap3A_467] {strides = array<i32>} : memref<2x64xf32, #tpu.memory_space<vmem>>, vector<1x16xf32>,
    %swap3A_469 = vector.shape_cast %swap3A_468 : vector<1x16xf32> to vector<16xf32>
    %swap3A_470 = vector.shape_cast %add3A_464 : vector<16xf32> to vector<1x16xf32>
    tpu.vector_store %arg7[%swap3A_466, %swap3A_467], %swap3A_470 {strides = array<i32>} : memref<2x64xf32, #tpu.memory_space<vmem>>, vector<1x16xf32>,
    %mul3A_471 = arith.constant 0.0316227749 : f32
    %mul3A_472 = vector.broadcast %mul3A_471 : f32 to vector<16xf32>
    %mul3A_473 = arith.mulf %add3A_405, %mul3A_472 : vector<16xf32>
    %add3A_474 = arith.constant 1.000000e+00 : f32
    %add3A_475 = vector.broadcast %add3A_474 : f32 to vector<16xf32>
    %add3A_476 = arith.addf %mul3A_473, %add3A_475 : vector<16xf32>
    %swap3A_477 = arith.constant 1 : i32
    %swap3A_478 = arith.index_cast %swap3A_477 : i32 to index
    %swap3A_479 = arith.constant 16 : index
    %swap3A_480 = tpu.vector_load %arg7[%swap3A_478, %swap3A_479] {strides = array<i32>} : memref<2x64xf32, #tpu.memory_space<vmem>>, vector<1x16xf32>,
    %swap3A_481 = vector.shape_cast %swap3A_480 : vector<1x16xf32> to vector<16xf32>
    %swap3A_482 = vector.shape_cast %add3A_476 : vector<16xf32> to vector<1x16xf32>
    tpu.vector_store %arg7[%swap3A_478, %swap3A_479], %swap3A_482 {strides = array<i32>} : memref<2x64xf32, #tpu.memory_space<vmem>>, vector<1x16xf32>,
    %mul3A_483 = arith.constant 0.0316227749 : f32
    %mul3A_484 = vector.broadcast %mul3A_483 : f32 to vector<16xf32>
    %mul3A_485 = arith.mulf %add3A_408, %mul3A_484 : vector<16xf32>
    %add3A_486 = arith.constant 1.000000e+00 : f32
    %add3A_487 = vector.broadcast %add3A_486 : f32 to vector<16xf32>
    %add3A_488 = arith.addf %mul3A_485, %add3A_487 : vector<16xf32>
    %swap3A_489 = arith.constant 1 : i32
    %swap3A_490 = arith.index_cast %swap3A_489 : i32 to index
    %swap3A_491 = arith.constant 32 : index
    %swap3A_492 = tpu.vector_load %arg7[%swap3A_490, %swap3A_491] {strides = array<i32>} : memref<2x64xf32, #tpu.memory_space<vmem>>, vector<1x16xf32>,
    %swap3A_493 = vector.shape_cast %swap3A_492 : vector<1x16xf32> to vector<16xf32>
    %swap3A_494 = vector.shape_cast %add3A_488 : vector<16xf32> to vector<1x16xf32>
    tpu.vector_store %arg7[%swap3A_490, %swap3A_491], %swap3A_494 {strides = array<i32>} : memref<2x64xf32, #tpu.memory_space<vmem>>, vector<1x16xf32>,
    %mul3A_495 = arith.constant 0.0316227749 : f32
    %mul3A_496 = vector.broadcast %mul3A_495 : f32 to vector<16xf32>
    %mul3A_497 = arith.mulf %add3A_411, %mul3A_496 : vector<16xf32>
    %add3A_498 = arith.constant 1.000000e+00 : f32
    %add3A_499 = vector.broadcast %add3A_498 : f32 to vector<16xf32>
    %add3A_500 = arith.addf %mul3A_497, %add3A_499 : vector<16xf32>
    %swap3A_501 = arith.constant 1 : i32
    %swap3A_502 = arith.index_cast %swap3A_501 : i32 to index
    %swap3A_503 = arith.constant 48 : index
    %swap3A_504 = tpu.vector_load %arg7[%swap3A_502, %swap3A_503] {strides = array<i32>} : memref<2x64xf32, #tpu.memory_space<vmem>>, vector<1x16xf32>,
    %swap3A_505 = vector.shape_cast %swap3A_504 : vector<1x16xf32> to vector<16xf32>
    %swap3A_506 = vector.shape_cast %add3A_500 : vector<16xf32> to vector<1x16xf32>
    tpu.vector_store %arg7[%swap3A_502, %swap3A_503], %swap3A_506 {strides = array<i32>} : memref<2x64xf32, #tpu.memory_space<vmem>>, vector<1x16xf32>,
    "tpu.region"() ({
      %run_scoped3A = tpu.sem_alloc : memref<!tpu.dma_semaphore, #tpu.memory_space<semaphore_mem>>
      %dma_start3A = arith.constant 0 : i32
      %dma_start3A_507 = tpu.memref_slice %arg4[%mul3A_2, %dma_start3A] : memref<64x64xf32, #tpu.memory_space<hbm>> -> memref<2x64xf32, #tpu.memory_space<hbm>>
      %dma_start3A_508 = arith.constant 0 : i32
      %dma_start3A_509 = tpu.memref_slice %arg4[%mul3A_2, %dma_start3A_508] : memref<64x64xf32, #tpu.memory_space<hbm>> -> memref<2x64xf32, #tpu.memory_space<hbm>>
      tpu.enqueue_dma source(%arg7 : memref<2x64xf32, #tpu.memory_space<vmem>>) target(%dma_start3A_509 : memref<2x64xf32, #tpu.memory_space<hbm>>) target_semaphore(%run_scoped3A : memref<!tpu.dma_semaphore, #tpu.memory_space<semaphore_mem>>)
      %dma_wait3A = arith.constant 0 : i32
      %dma_wait3A_510 = tpu.memref_slice %arg4[%mul3A_2, %dma_wait3A] : memref<64x64xf32, #tpu.memory_space<hbm>> -> memref<2x64xf32, #tpu.memory_space<hbm>>
      %dma_wait3A_511 = arith.constant 0 : i32
      %dma_wait3A_512 = tpu.memref_slice %arg4[%mul3A_2, %dma_wait3A_511] : memref<64x64xf32, #tpu.memory_space<hbm>> -> memref<2x64xf32, #tpu.memory_space<hbm>>
      tpu.wait_dma2 semaphore(%run_scoped3A : memref<!tpu.dma_semaphore, #tpu.memory_space<semaphore_mem>>) src(%arg7 : memref<2x64xf32, #tpu.memory_space<vmem>>) dst(%dma_wait3A_512 : memref<2x64xf32, #tpu.memory_space<hbm>>)
      tpu.yield
    }) : () -> ()
    return
  }
}

module attributes {stable_mosaic.version = 14 : i64} {
  func.func @_tc_block(%arg0: i32, %arg1: memref<480x1000xf32, #tpu.memory_space<vmem>>, %arg2: memref<1000x64xf32, #tpu.memory_space<vmem>>, %arg3: memref<480x64xf32, #tpu.memory_space<vmem>>) attributes {dimension_semantics = [#tpu.dimension_semantics<arbitrary>], iteration_bounds = array<i64: 2>, scalar_prefetch = 0 : i64, scratch_operands = 0 : i64, tpu.core_type = #tpu.core_type<tc>, window_params = [{transform_indices = @transform_0, window_bounds = array<i64: 480, 1000>}, {pipeline_mode = #tpu.pipeline_mode<synchronous>, transform_indices = @transform_1, window_bounds = array<i64: 1000, 64>}, {transform_indices = @transform_2, window_bounds = array<i64: 480, 64>}]} {
    %get3A = arith.constant 0 : index
    %get3A_0 = arith.constant 0 : index
    %get3A_1 = vector.load %arg1[%get3A, %get3A_0] : memref<480x1000xf32, #tpu.memory_space<vmem>>, vector<480x1000xf32>
    %get3A_2 = arith.constant 0 : index
    %get3A_3 = arith.constant 0 : index
    %get3A_4 = vector.load %arg2[%get3A_2, %get3A_3] : memref<1000x64xf32, #tpu.memory_space<vmem>>, vector<1000x64xf32>
    %dot_general3A = arith.constant dense<0.000000e+00> : vector<480x64xf32>
    %dot_general3A_5 = tpu.matmul %get3A_1, %get3A_4, %dot_general3A {dimension_numbers = #tpu.dot_dimension_numbers<[1], [0], [0], [1], [0, 0, 1, 1], [], []>, transpose_lhs_hint = false} : vector<480x1000xf32>, vector<1000x64xf32>, vector<480x64xf32> -> vector<480x64xf32>
    %mul3A = arith.constant 0.0316227749 : f32
    %mul3A_6 = vector.broadcast %mul3A : f32 to vector<480x64xf32>
    %mul3A_7 = arith.mulf %dot_general3A_5, %mul3A_6 : vector<480x64xf32>
    %add3A = arith.constant 1.000000e+00 : f32
    %add3A_8 = vector.broadcast %add3A : f32 to vector<480x64xf32>
    %add3A_9 = arith.addf %mul3A_7, %add3A_8 : vector<480x64xf32>
    %swap3A = arith.constant 0 : index
    %swap3A_10 = arith.constant 0 : index
    %swap3A_11 = vector.load %arg3[%swap3A, %swap3A_10] : memref<480x64xf32, #tpu.memory_space<vmem>>, vector<480x64xf32>
    tpu.vector_store %arg3[%swap3A, %swap3A_10], %add3A_9 {strides = array<i32>} : memref<480x64xf32, #tpu.memory_space<vmem>>, vector<480x64xf32>,
    return
  }
  func.func @transform_0(%arg0: i32) -> (i32, i32) {
    %c0_i32 = arith.constant 0 : i32
    %c0_i32_0 = arith.constant 0 : i32
    return %arg0, %c0_i32 : i32, i32
  }
  func.func @transform_1(%arg0: i32) -> (i32, i32) {
    %c0_i32 = arith.constant 0 : i32
    %c0_i32_0 = arith.constant 0 : i32
    %c0_i32_1 = arith.constant 0 : i32
    return %c0_i32, %c0_i32_0 : i32, i32
  }
  func.func @transform_2(%arg0: i32) -> (i32, i32) {
    %c0_i32 = arith.constant 0 : i32
    %c0_i32_0 = arith.constant 0 : i32
    return %arg0, %c0_i32 : i32, i32
  }
}

</mosaic_0001>

<sc_bundles>
// kernel: kernel.4.cloned.1.call-start
scs
__scs_entry_jumppad:
0x0: {  	(pc) =	sbr.rel $0x88, $3  }
0x1: {  	(tag) =	ssettag $0x0;
	lr =	simm.s32 $0x1  }
0x2: {  	[smem:$0x3F9F] =	sst lr;
	_ =	strace $0xD0000000  }
0x3: {  	_ = 	snop  }
0x4: {  	_ = 	snop  }
0x5: {  	_ = 	snop  }
0x6: {  	_ = 	snop  }
0x7: {  	_ = 	snop  }
__scs_overlays_trampoline_lowered:
0x8: {  	[smem:$0x3FAE] =	sst s0  }
0x9: {  	[smem:$0x3FAF] =	sst s1  }
0xa: {  	[smem:$0x3FB0] =	sst s2  }
0xb: {  	[smem:$0x3FB1] =	sst s3  }
0xc: {  	[smem:$0x3FB2] =	sst s4  }
0xd: {  	[smem:$0x3FB3] =	sst s5  }
0xe: {  	[smem:$0x3FB4] =	sst s6  }
0xf: {  	[smem:$0x3FB5] =	sst s7  }
0x10: {  	[smem:$0x3FB6] =	sst s8  }
0x11: {  	[smem:$0x3FB7] =	sst s9;
	s0 =	simm.s32 @!p0 $0x0  }
0x12: {  	s1 =	sld [smem:$0x3F9D];
	s0 =	simm.s32 @p0 $0x1  }
0x13: {  	[smem:$0x3FB8] =	sst s0;
	s0 =	simm.s32 @!p1 $0x0  }
0x14: {  	s2 =	sld [smem:$0x3F9C];
	s0 =	simm.s32 @p1 $0x1  }
0x15: {  	[smem:$0x3FB9] =	sst s0;
	s0 =	simm.s32 @!p2 $0x0  }
0x16: {  	s3 =	sld [smem:$0x3FDB];
	s0 =	simm.s32 @p2 $0x1  }
0x17: {  	s4 =	simm.s32 $0x1BF5;
	[smem:$0x3FBB] =	sst s0  }
0x18: {  	s0 =	sld [smem:$0x3F9E];
	_ =	swait.ge [sflag:s4], $0x0  }
0x19: {  	s7 =	sld [smem:$0x3F9F]  }
0x1a: {  	s8 =	sadd.s32 $0xFFFFE003, lr  }
0x1b: {  	s9 =	sadd.s32 $0xFFFFFEF7, lr;
	s5 =	simm.s32 $0xFFFFFFFF;
	p2 =	slt.u32 s8, $0xFFFFF086  }
0x1c: {  	p1 =	slt.u32 s9, $0xF7A;
	s5 =	simm.s32 @!p2 $0x0  }
0x1d: {  	s5 =	simm.s32 @p1 $0x1;
	p0 =	seq.s32 s7, s2  }
0x1e: {  	s7 =	smul.u32 @!p0 $0xF7A, s2;
	p2 =	seq.s32 @!p0 s5, $0x0  }
0x1f: {  	s9 =	smul.u32 $0xF7A, s1;
	s8 =	simm.s32 @!p0 $0x1BF5;
	p2 =	por !p2, p0  }
0x20: {  	[sflag:s8] =	ssyncset.s32 @!p0 $0xFFFFF086;
	s6 =	sadd.s32 @!p0 s3, s7;
	s7 =	simm.s32 @!p0 $0x108  }
0x21: {  	s3 =	sadd.s32 s3, s9;
	s6 =	sadd.s32 @!p0 $0x88, s6;
	s7 =	simm.s32 @p2 $0x1082  }
0x22: {  	[simem:s7], [sflag:s8] =	dma.local @!p0 [hbm:s6], $0xF7A  }
0x23: {  	s9 =	sor.u32 $0xD0000000, s2;
	s6 =	simm.s32 $0x108;
	_ =	swait.ge @!p0 [sflag:s8], $0x0  }
0x24: {  	s3 =	sadd.s32 $0x88, s3;
	s6 =	simm.s32 @!p1 $0x1082;
	[sflag:s4] =	ssyncset.s32 $0xFFFFF086  }
0x25: {  	[simem:s6], [sflag:s4] =	dma.local [hbm:s3], $0xF7A  }
0x26: {  	[smem:$0x3F9F] =	sst s1;
	(tag) =	ssettag s2;
	_ =	strace s9  }
0x27: {  	s1 =	sld [smem:$0x3FAF]  }
0x28: {  	s2 =	sld [smem:$0x3FB0]  }
0x29: {  	s4 =	sld [smem:$0x3FB2]  }
0x2a: {  	p0 =	seq.s32 s5, $0x0;
	s5 =	sld [smem:$0x3FB3]  }
0x2b: {  	s6 =	sld [smem:$0x3FB4]  }
0x2c: {  	s7 =	sld [smem:$0x3FB5]  }
0x2d: {  	s3 =	simm.s32 $0x108;
	s8 =	sld [smem:$0x3FB6]  }
0x2e: {  	s3 =	simm.s32 @!p0 $0x1082;
	s9 =	sld [smem:$0x3FB7]  }
0x2f: {  	lr =	sadd.s32 s0, s3;
	s0 =	sld [smem:$0x3FAE]  }
0x30: {  	s3 =	sld [smem:$0x3FB1]  }
0x31: {  	[smem:$0x3FBA] =	sst s10  }
0x32: {  	s10 =	sld [smem:$0x3FB8];
	_ =	sdelay $0x3  }
0x33: {  	p0 =	seq.s32 s10, $0x1;
	s10 =	sld [smem:$0x3FBA];
	_ =	sdelay $0x3  }
0x34: {  	[smem:$0x3FBA] =	sst s10  }
0x35: {  	s10 =	sld [smem:$0x3FB9];
	_ =	sdelay $0x3  }
0x36: {  	p1 =	seq.s32 s10, $0x1;
	s10 =	sld [smem:$0x3FBA];
	_ =	sdelay $0x3  }
0x37: {  	[smem:$0x3FBA] =	sst s10  }
0x38: {  	s10 =	sld [smem:$0x3FBB]  }
0x39: {  	_ = 	snop;
	(pc) =	sbr.ind lr, $3  }
0x3a: {  	_ = 	snop  }
0x3b: {  	_ = 	snop  }
0x3c: {  	p2 =	seq.s32 s10, $0x1;
	s10 =	sld [smem:$0x3FBA]  }
0x3d: {  	_ =	shalt  }
0x3e: {  	_ =	shalt  }
0x3f: {  	_ =	shalt  }
0x40: {  	_ =	shalt  }
0x41: {  	_ =	shalt  }
0x42: {  	_ =	shalt  }
0x43: {  	_ =	shalt  }
0x44: {  	_ =	shalt  }
0x45: {  	_ =	shalt  }
0x46: {  	_ =	shalt  }
0x47: {  	_ =	shalt  }
0x48: {  	_ =	shalt  }
0x49: {  	_ =	shalt  }
0x4a: {  	_ =	shalt  }
0x4b: {  	_ =	shalt  }
0x4c: {  	_ =	shalt  }
0x4d: {  	_ =	shalt  }
0x4e: {  	_ =	shalt  }
0x4f: {  	_ =	shalt  }
0x50: {  	_ =	shalt  }
0x51: {  	_ =	shalt  }
0x52: {  	_ =	shalt  }
0x53: {  	_ =	shalt  }
0x54: {  	_ =	shalt  }
0x55: {  	_ =	shalt  }
0x56: {  	_ =	shalt  }
0x57: {  	_ =	shalt  }
0x58: {  	_ =	shalt  }
0x59: {  	_ =	shalt  }
0x5a: {  	_ =	shalt  }
0x5b: {  	_ =	shalt  }
0x5c: {  	_ =	shalt  }
0x5d: {  	_ =	shalt  }
0x5e: {  	_ =	shalt  }
0x5f: {  	_ =	shalt  }
0x60: {  	_ =	shalt  }
0x61: {  	_ =	shalt  }
0x62: {  	_ =	shalt  }
0x63: {  	_ =	shalt  }
0x64: {  	_ =	shalt  }
0x65: {  	_ =	shalt  }
0x66: {  	_ =	shalt  }
0x67: {  	_ =	shalt  }
0x68: {  	_ =	shalt  }
0x69: {  	_ =	shalt  }
0x6a: {  	_ =	shalt  }
0x6b: {  	_ =	shalt  }
0x6c: {  	_ =	shalt  }
0x6d: {  	_ =	shalt  }
0x6e: {  	_ =	shalt  }
0x6f: {  	_ =	shalt  }
0x70: {  	_ =	shalt  }
0x71: {  	_ =	shalt  }
0x72: {  	_ =	shalt  }
0x73: {  	_ =	shalt  }
0x74: {  	_ =	shalt  }
0x75: {  	_ =	shalt  }
0x76: {  	_ =	shalt  }
0x77: {  	_ =	shalt  }
0x78: {  	_ =	shalt  }
0x79: {  	_ =	shalt  }
0x7a: {  	_ =	shalt  }
0x7b: {  	_ =	shalt  }
0x7c: {  	_ =	shalt  }
0x7d: {  	_ =	shalt  }
0x7e: {  	_ =	shalt  }
0x7f: {  	_ =	shalt  }
0x80: {  	_ =	shalt  }
0x81: {  	_ =	shalt  }
0x82: {  	_ =	shalt  }
0x83: {  	_ =	shalt  }
0x84: {  	_ =	shalt  }
0x85: {  	_ =	shalt  }
0x86: {  	_ =	shalt  }
0x87: {  	_ =	shalt  }
.Lfunc_end0:
.L_simem_size_0:
called_computation_lowered:
.L_overlay_start_0:
0x88: {  	s2 =	sld [smem:$0x3FD9]  }
0x89: {  	s3 =	sld [smem:$0x3FFE];
	_ =	sdelay $0x1  }
0x8a: {  	s1 =	srdreg.scid  }
0x8b: {  	s0 =	sand.u32 $0x1, s1  }
0x8c: {  	s17 =	sshll.u32 s0, $0xA;
	s2 =	sadd.s32 s3, s2  }
0x8d: {  	s2 =	sadd.s32 s2, s17  }
0x8e: {  	[smem:$0x3FC6] =	sst s2  }
0x8f: {  	_ = 	snop  }
0x90: {  	s2 =	sld [smem:$0x3FD0];
	(tm) =	ssettm $0x1  }
0x91: {  	s18 =	sld [smem:$0x3FFB];
	_ =	sdelay $0x3  }
0x92: {  	_ =	strace s18  }
0x93: {  	s3 =	sld [smem:$0x3FFC];
	_ =	sdelay $0x3  }
0x94: {  	_ =	strace s3  }
0x95: {  	s3 =	sld [smem:$0x3FFD];
	_ =	sdelay $0x3  }
0x96: {  	_ =	strace s3  }
0x97: {  	_ =	strace $0x8FFFFFFF  }
0x98: {  	s19 =	sld [smem:$0x3FDB];
	_ =	sdelay $0x1  }
0x99: {  	s4 =	simm.s32 $_scs_section_size  }
0x9a: {  	s5 =	simm.s32 $_size__tile_overlayer_lowered;
	s6 =	simm.s32 $_tile_overlayer_lowered  }
0x9b: {  	s22 =	simm.s32 $0x1BFF;
	s21 =	sshll.u32 s6, $0x1;
	s3 =	sadd.s32 s4, s19  }
0x9c: {  	s7 =	simm.s32 $0x0;
	s20 =	sshll.u32 s5, $0x1;
	s5 =	sadd.s32 s21, s3  }
0x9d: {  	[timem:s7], [sflag:s22] =	dma.local [hbm:s5], s20  }
0x9e: {  	_ =	swait.ge [sflag:s22], s20  }
0x9f: {  	s4 =	ssub.s32 $0x0, s20;
	[sflag:s22] =	ssyncset.done $0x0  }
0xa0: {  	[sflag:s22] =	ssyncadd.s32 s4;
	_ =	sdelay $0x1  }
0xa1: {  	s23 =	simm.s32 $0x1B8B  }
0xa2: {  	_ =	swait.ge [sflag:s23], $0x1  }
0xa3: {  	[sflag:s23] =	ssyncset.done $0x0  }
0xa4: {  	s25 =	simm.s32 $0x1B8E;
	s24 =	sld [smem:$0x3FFE];
	[sflag:s23] =	ssyncadd.s32 $0xFFFFFFFF  }
0xa5: {  	s26 =	simm.s32 $execute0_lowered;
	[smem:$0x3FD2] =	sst s25  }
0xa6: {  	s5 =	sshll.u32 s26, $0x1;
	_ =	strace $0x80000046;
	[dreg:$0x1] =	wrdreg $0xFFFFFFFF  }
0xa7: {  	s28 =	simm.s32 $_size_execute0_lowered;
	s3 =	sadd.s32 s3, s5;
	[dreg:$0x0] =	wrdreg $0x0  }
0xa8: {  	s5 =	sshll.u32 s28, $0x1;
	[dreg:$0x2] =	wrdreg s3  }
0xa9: {  	[dreg:$0x3] =	wrdreg s5  }
0xaa: {  	[dreg:$0x4] =	wrdreg $0xC0  }
0xab: {  	_ =	task [dreg:s7], $0x5FFFF  }
0xac: {  	[dreg:$0x1] =	wrdreg $0xFFFFFFFF  }
0xad: {  	[dreg:$0x0] =	wrdreg $0x60  }
0xae: {  	[dreg:$0x2] =	wrdreg s2  }
0xaf: {  	[dreg:$0x3] =	wrdreg s24  }
0xb0: {  	[dreg:$0x4] =	wrdreg $0x9  }
0xb1: {  	_ =	task.clear_ibuf [dreg:s7], $0x5FFFF;
	_ =	strace $0x90000046  }
0xb2: {  	s29 =	simm.s32 $0x9;
	_ =	strace $0x80000048  }
0xb3: {  	_ =	swait.ge [sflag:s29], $0x1  }
0xb4: {  	[sflag:s29] =	ssyncadd.s32 $0xFFFFFFFF  }
0xb5: {  	_ =	strace $0x90000048  }
0xb6: {  	_ =	sfence  }
0xb7: {  	s30 =	sld [smem:$0x0];
	_ =	sdelay $0x2  }
0xb8: {  	s31 =	sshll.u32 s1, $0xD;
	s1 =	sshrl.u32 s1, $0x2  }
0xb9: {  	s3 =	sand.u32 $0x4000, s31;
	s1 =	sadd.s32 s1, s30  }
0xba: {  	s0 =	sor.u32 s3, s0;
	s1 =	sshll.u32 s1, $0x11  }
0xbb: {  	s0 =	sor.u32 s1, s0  }
0xbc: {  	s0 =	sadd.s32 $0x8F2B, s0  }
0xbd: {  	[sflag:s0] =	ssyncadd.remote.s32 $0x1  }
0xbe: {  	_ =	sfence.sel $0xFFFF  }
0xbf: {  	[dreg:$0x0] =	wrdreg $0xFFFFFFFF;
	(pc) =	sbr.abs _section_cstart, $3  }
0xc0: {  	[dreg:$0x1] =	wrdreg $0xFFFFFFFF  }
0xc1: {  	_ =	task.clear_ibuf [dreg:s7], $0x2FFFF;
	_ =	strace $0x9FFFFFFF  }
0xc2: {  	(tm) =	ssettm $0x7FFFFFFF  }
0xc3: {  	_ =	shalt  }
tec
execute0_lowered:
.L_overlay_start_1:
0x0: {  	(tag) =	ssettag $0x1  }
0x1: {  	s4 =	rddreg [dreg:$0x0]  }
0x2: {  	s5 =	rddreg [dreg:$0x1]  }
0x3: {  	s0 =	rddreg [dreg:$0x2];
	s2 =	simm.s32 $0x0  }
0x4: {  	s3 =	srdreg.scid;
	s1 =	stileid.u32;
	s11 =	simm.s32 $0x10400  }
0x5: {  	s12 =	simm.s32 $0x0;
	[smem:$0x7FF] =	sst s2;
	s6 =	sand.u32 $0x1, s3  }
0x6: {  	s30 =	sshll.u32 s1, $0x9;
	s8 =	sshrl.u32 s1, $0x1;
	s3 =	sadd.s32 $0x600, s5  }
0x7: {  	_ =	strace $0x80000047;
	s7 =	sshll.u32 s6, $0x8;
	s9 =	sand.u32 $0x200, s30  }
0x8: {  	s31 =	sshll.u32 s8, $0xA;
	s6 =	ssub.s32 $0x2, s6;
	s7 =	sor.u32 s7, s9  }
0x9: {  	s8 =	sshll.u32 s8, $0xD;
	s10 =	sshrl.u32 s6, $0x1;
	s9 =	sor.u32 s31, s7  }
0xa: {  	s7 =	sor.u32 s8, s7;
	s6 =	ssub.s32 s6, s10;
	s8 =	simm.s32 $0x100  }
0xb: {  	s10 =	simm.s32 $0xFC00;
	s9 =	sshrl.u32 s9, $0x3;
	s7 =	sshrl.u32 s7, $0x3  }
0xc: {  	s6 =	smax.u32 s6, $0x1;
	s5 =	sadd.s32 s9, s5;
	s4 =	sadd.s32 s4, s7  }
0xd: {  	s7 =	simm.s32 $0x1;
	s9 =	simm.s32 $0x400;
	s5 =	sadd.s32 $0x2600, s5  }
.LBB2_1:
0xe: {  	[tilespmem:s2], [sflag:$0x1] =	stream.linear.gather [hbm4b:s3+s2], $0xFA00, $0x38;
	[tilespmem:$0x10500] =	vst v63  }
0xf: {  	_ =	swait.ge [sflag:s7], $0xFA00  }
0x10: {  	[sflag:s7] =	ssyncset.done $0x0  }
0x11: {  	[sflag:s7] =	ssyncadd.s32 $0xFFFF0600  }
0x12: {  	[tilespmem:s10], [sflag:$0x1] =	stream.strided.gather [hbm4b:s4+s8], $0x800, s9, s8, $0x38;
	[tilespmem:$0x10500] =	vst v63  }
0x13: {  	_ =	swait.ge [sflag:s7], $0x800  }
0x14: {  	[sflag:s7] =	ssyncset.done $0x0  }
0x15: {  	s13 =	simm.s32 $0x200;
	[sflag:s7] =	ssyncadd.s32 $0xFFFFF800  }
0x16: {  	v2 =	vld [tilespmem:s13+$0xC0];
	_ =	sdelay $0x4  }
0x17: {  	s14 =	sand.u32 $0x70, s2;
	s15 =	sand.u32 $0x700, s2;
	[tilespmem:$0x1FE60] =	vst v2;
	v2 =	vld [tilespmem:s13+$0xD0]  }
0x18: {  	s14 =	sor.u32 s14, s15  }
0x19: {  	v0 =	vld [tilespmem:s14+$0xFC00];
	_ =	sdelay $0x1  }
0x1a: {  	v4 =	vld [tilespmem:s14+$0xFC80]  }
0x1b: {  	[tilespmem:$0x1FE70] =	vst v2;
	v2 =	vld [tilespmem:s13+$0x80];
	_ =	sdelay $0x1  }
0x1c: {  	v25 =	vbroadcast v0, $0xF;
	v26 =	vbroadcast v0, $0xE  }
0x1d: {  	v6 =	vbroadcast v0, $0xD;
	v53 =	vbroadcast v0, $0xC  }
0x1e: {  	v3 =	vld [tilespmem:s13+$0xFFFFFE00];
	v47 =	vbroadcast v0, $0xB;
	v52 =	vbroadcast v0, $0xA  }
0x1f: {  	v7 =	vld [tilespmem:s13+$0x90];
	v51 =	vbroadcast v0, $0x9;
	[tilespmem:$0x1FEE0] =	vst v2;
	v2 =	vbroadcast v4, $0x8  }
0x20: {  	v21 =	vld [tilespmem:s13+$0xFFFFFE10];
	v19 =	vbroadcast v0, $0x8;
	v35 =	vbroadcast v0, $0x7  }
0x21: {  	v42 =	vbroadcast v0, $0x6;
	[tilespmem:$0x1FF60] =	vst v2;
	v2 =	vbroadcast v4, $0x5  }
0x22: {  	v41 =	vbroadcast v0, $0x5;
	v39 =	vbroadcast v0, $0x4  }
0x23: {  	v27 =	vbroadcast v0, $0x3;
	[tilespmem:$0x1FF90] =	vst v2;
	v2 =	vbroadcast v0, $0x0  }
0x24: {  	[tilespmem:$0x1FEF0] =	vst v7;
	v7 =	vbroadcast v0, $0x1;
	v31 =	vbroadcast v0, $0x2  }
0x25: {  	v1 =	vld [tilespmem:s13+$0x1C0];
	[tilespmem:$0x1FC20] =	vst v3;
	v3 =	vmul.f32 v3, v2;
	v0 =	vmul.f32 v21, v2  }
0x26: {  	v30 =	vimm.f32 $0.0e+00;
	v11 =	vld [tilespmem:s13+$0x1D0]  }
0x27: {  	v49 =	vld [tilespmem:s13+$0x1E0];
	v3 =	vadd.f32 v3, v30;
	v30 =	vadd.f32 v0, v30;
	v0 =	vbroadcast v4, $0x4  }
0x28: {  	v28 =	vld [tilespmem:s13+$0x1F0]  }
0x29: {  	v14 =	vld [tilespmem:s13+$0x180];
	[tilespmem:$0x1FFA0] =	vst v0;
	v0 =	vbroadcast v4, $0x3  }
0x2a: {  	v15 =	vld [tilespmem:s13+$0x190]  }
0x2b: {  	v20 =	vld [tilespmem:s13+$0x1A0];
	[tilespmem:$0x1FFB0] =	vst v0;
	v0 =	vbroadcast v4, $0x2  }
0x2c: {  	v50 =	vld [tilespmem:s13+$0x1B0]  }
0x2d: {  	v36 =	vld [tilespmem:s13+$0x140];
	[tilespmem:$0x1FC80] =	vst v0;
	v0 =	vmul.f32 v1, v25  }
0x2e: {  	v5 =	vld [tilespmem:s13+$0x150]  }
0x2f: {  	v57 =	vld [tilespmem:s13+$0x160];
	[tilespmem:$0x1FCB0] =	vst v0;
	v0 =	vmul.f32 v11, v25  }
0x30: {  	v56 =	vld [tilespmem:s13+$0x170]  }
0x31: {  	v18 =	vld [tilespmem:s13+$0x100];
	[tilespmem:$0x1FCC0] =	vst v0;
	v0 =	vmul.f32 v49, v25  }
0x32: {  	v34 =	vld [tilespmem:s13+$0x110]  }
0x33: {  	v17 =	vld [tilespmem:s13+$0xFFFFFE40];
	v40 =	vbroadcast v4, $0xF;
	[tilespmem:$0x1FCE0] =	vst v0;
	v0 =	vmul.f32 v28, v25  }
0x34: {  	v8 =	vld [tilespmem:s13+$0x120]  }
0x35: {  	v22 =	vld [tilespmem:s13+$0xFFFFFE20];
	[tilespmem:$0x1FD00] =	vst v0;
	v0 =	vmul.f32 v1, v40  }
0x36: {  	v62 =	vld [tilespmem:s13+$0x130];
	[tilespmem:$0x1FC30] =	vst v21  }
0x37: {  	v32 =	vld [tilespmem:s13+$0xFFFFFE30];
	[tilespmem:$0x1FD20] =	vst v0;
	v0 =	vmul.f32 v11, v40  }
0x38: {  	v12 =	vld [tilespmem:s13+$0xE0];
	v55 =	vbroadcast v4, $0xE;
	v29 =	vbroadcast v4, $0xD;
	[tilespmem:$0x1FC40] =	vst v17  }
0x39: {  	v33 =	vld [tilespmem:s13+$0xFFFFFE50];
	v58 =	vbroadcast v4, $0xC;
	[tilespmem:$0x1FD30] =	vst v0;
	v0 =	vmul.f32 v14, v26  }
0x3a: {  	v13 =	vld [tilespmem:s13+$0xF0];
	v10 =	vbroadcast v4, $0xB;
	v9 =	vbroadcast v4, $0xA;
	[tilespmem:$0x1FC50] =	vst v22  }
0x3b: {  	v44 =	vld [tilespmem:s13+$0xFFFFFE60];
	v16 =	vbroadcast v4, $0x9;
	[tilespmem:$0x1FD40] =	vst v0;
	v0 =	vmul.f32 v15, v26  }
0x3c: {  	v48 =	vld [tilespmem:s13+$0xFFFFFEC0];
	v23 =	vbroadcast v4, $0x7;
	v24 =	vbroadcast v4, $0x6;
	[tilespmem:$0x1FC60] =	vst v32  }
0x3d: {  	v45 =	vld [tilespmem:s13+$0xFFFFFE70];
	v54 =	vbroadcast v4, $0x1;
	[tilespmem:$0x1FD50] =	vst v0;
	v0 =	vmul.f32 v20, v26  }
0x3e: {  	v46 =	vld [tilespmem:s13+$0xFFFFFE80];
	[tilespmem:$0x1FC70] =	vst v33;
	v38 =	vbroadcast v4, $0x0;
	v33 =	vmul.f32 v33, v7  }
0x3f: {  	v63 =	vld [tilespmem:s13+$0xFFFFFED0];
	v21 =	vmul.f32 v17, v7;
	[tilespmem:$0x1FD60] =	vst v0;
	v0 =	vmul.f32 v50, v26  }
0x40: {  	[tilespmem:$0x1FC90] =	vst v44;
	v22 =	vmul.f32 v22, v2;
	v32 =	vmul.f32 v32, v2;
	v2 =	vld [tilespmem:s13+$0xFFFFFF10]  }
0x41: {  	v37 =	vadd.f32 v21, v3;
	v3 =	vimm.f32 $0.0e+00;
	v21 =	vld [tilespmem:s13+$0xFFFFFE90];
	[tilespmem:$0x1FD70] =	vst v0;
	v0 =	vmul.f32 v14, v55  }
0x42: {  	v44 =	vmul.f32 v44, v7;
	v43 =	vadd.f32 v33, v30;
	v22 =	vadd.f32 v22, v3;
	v30 =	vmovc v16;
	v16 =	vld [tilespmem:s13+$0xFFFFFEA0]  }
0x43: {  	v7 =	vmul.f32 v45, v7;
	v32 =	vadd.f32 v32, v3;
	v4 =	vld [tilespmem:s13+$0xFFFFFEB0];
	[tilespmem:$0x1FD80] =	vst v0;
	v0 =	vmul.f32 v15, v55  }
0x44: {  	[tilespmem:$0x1FCA0] =	vst v45;
	v44 =	vadd.f32 v44, v22;
	v22 =	vld [tilespmem:s13+$0xFFFFFEE0]  }
0x45: {  	v32 =	vadd.f32 v7, v32;
	v7 =	vld [tilespmem:s13+$0xFFFFFEF0];
	[tilespmem:$0x1FD90] =	vst v0;
	v0 =	vmul.f32 v36, v6  }
0x46: {  	v59 =	vmul.f32 v46, v31;
	v17 =	vld [tilespmem:s13+$0xFFFFFF40];
	[tilespmem:$0x1FCF0] =	vst v21  }
0x47: {  	v33 =	vld [tilespmem:s13+$0xFFFFFF80];
	v60 =	vmul.f32 v21, v31;
	v21 =	vmov v63;
	[tilespmem:$0x1FDA0] =	vst v0;
	v0 =	vmul.f32 v5, v6  }
0x48: {  	v45 =	vadd.f32 v59, v37;
	v61 =	vmul.f32 v21, v27;
	[tilespmem:$0x1FD10] =	vst v16;
	v25 =	vmul.f32 v16, v31;
	v16 =	vld [tilespmem:s13+$0xFFFFFF00]  }
0x49: {  	v59 =	vld [tilespmem:s13+$0xFFFFFF50];
	v43 =	vadd.f32 v60, v43;
	v63 =	vmul.f32 v22, v27;
	[tilespmem:$0x1FDB0] =	vst v0;
	v0 =	vmul.f32 v57, v6  }
0x4a: {  	v37 =	vmul.f32 v7, v27;
	v1 =	vmul.f32 v4, v31;
	v31 =	vadd.f32 v25, v44;
	v25 =	vld [tilespmem:s13+$0xFFFFFF20]  }
0x4b: {  	v43 =	vadd.f32 v61, v43;
	v11 =	vmul.f32 v48, v27;
	v27 =	vld [tilespmem:s13+$0xFFFFFF30];
	[tilespmem:$0x1FDC0] =	vst v0;
	v0 =	vmul.f32 v56, v6  }
0x4c: {  	[tilespmem:$0x1FFE0] =	vst v48;
	v1 =	vadd.f32 v1, v32;
	v44 =	vadd.f32 v63, v31;
	v31 =	vld [tilespmem:s13+$0xFFFFFF60]  }
0x4d: {  	v32 =	vld [tilespmem:s13+$0xFFFFFF70];
	v11 =	vadd.f32 v11, v45;
	v26 =	vmul.f32 v16, v39;
	[tilespmem:$0x1FDD0] =	vst v0;
	v0 =	vmul.f32 v36, v29  }
0x4e: {  	[tilespmem:$0x1FCD0] =	vst v46;
	v60 =	vld [tilespmem:s13+$0xFFFFFF90];
	v48 =	vmul.f32 v17, v41;
	v45 =	vadd.f32 v37, v1;
	v1 =	vmul.f32 v2, v39  }
0x4f: {  	v63 =	vld [tilespmem:s13+$0xFFFFFFC0];
	v46 =	vadd.f32 v26, v11;
	v14 =	vmul.f32 v25, v39;
	[tilespmem:$0x1FDE0] =	vst v0;
	v0 =	vmul.f32 v5, v29  }
0x50: {  	v61 =	vmul.f32 v59, v41;
	v43 =	vadd.f32 v1, v43;
	v1 =	vld [tilespmem:s13+$0xFFFFFFA0];
	v15 =	vmul.f32 v27, v39  }
0x51: {  	v44 =	vadd.f32 v14, v44;
	v39 =	vld [tilespmem:s13+$0xFFFFFFB0];
	v46 =	vadd.f32 v48, v46;
	[tilespmem:$0x1FDF0] =	vst v0;
	v0 =	vmul.f32 v18, v53  }
0x52: {  	[tilespmem:$0x1FFC0] =	vst v16;
	v37 =	vld [tilespmem:s13+$0xFFFFFFD0];
	v48 =	vmul.f32 v31, v41;
	v41 =	vmul.f32 v32, v41;
	v45 =	vadd.f32 v15, v45  }
0x53: {  	v61 =	vadd.f32 v61, v43;
	v16 =	vld [tilespmem:s13+$0x0];
	v5 =	vmul.f32 v33, v42;
	[tilespmem:$0x1FE00] =	vst v0;
	v0 =	vmul.f32 v34, v53  }
0x54: {  	v43 =	vmov v8;
	v48 =	vadd.f32 v48, v44;
	v36 =	vadd.f32 v41, v45;
	v41 =	vld [tilespmem:s13+$0xFFFFFFE0]  }
0x55: {  	v6 =	vmul.f32 v1, v42;
	v8 =	vadd.f32 v5, v46;
	v5 =	vld [tilespmem:s13+$0xFFFFFFF0];
	[tilespmem:$0x1FE10] =	vst v0;
	v0 =	vmul.f32 v43, v53  }
0x56: {  	[tilespmem:$0x1FFD0] =	vst v2;
	v2 =	vmovc v33;
	v11 =	vld [tilespmem:s13+$0x40];
	v44 =	vmov v9;
	v33 =	vmul.f32 v60, v42;
	v42 =	vmul.f32 v39, v42  }
0x57: {  	v9 =	vadd.f32 v6, v48;
	v48 =	vld [tilespmem:s13+$0x10];
	v6 =	vmul.f32 v63, v35;
	[tilespmem:$0x1FE20] =	vst v0;
	v0 =	vmul.f32 v62, v53  }
0x58: {  	v26 =	vld [tilespmem:s13+$0x30];
	v61 =	vadd.f32 v33, v61  }
0x59: {  	v14 =	vld [tilespmem:s13+$0x20];
	v8 =	vadd.f32 v6, v8;
	v6 =	vmul.f32 v41, v35;
	[tilespmem:$0x1FE30] =	vst v0;
	v0 =	vmul.f32 v18, v58  }
0x5a: {  	v36 =	vadd.f32 v42, v36;
	v33 =	vld [tilespmem:$0x1FE60];
	v42 =	vmovc v10;
	v18 =	vmul.f32 v37, v35;
	v35 =	vmul.f32 v5, v35  }
0x5b: {  	v15 =	vld [tilespmem:s13+$0x70];
	v10 =	vadd.f32 v6, v9;
	v9 =	vmul.f32 v16, v19;
	[tilespmem:$0x1FE40] =	vst v0;
	v0 =	vmul.f32 v34, v58  }
0x5c: {  	v18 =	vadd.f32 v18, v61;
	v34 =	vld [tilespmem:$0x1FE70];
	v35 =	vadd.f32 v35, v36;
	v36 =	vmul.f32 v48, v19;
	_ =	sdelay $0x1  }
0x5d: {  	v8 =	vadd.f32 v9, v8;
	v18 =	vadd.f32 v36, v18;
	v36 =	vmul.f32 v11, v51  }
0x5e: {  	v46 =	vmov v13;
	v6 =	vmul.f32 v12, v47;
	v53 =	vmul.f32 v33, v47  }
0x5f: {  	[tilespmem:$0x1FEA0] =	vst v26;
	v13 =	vld [tilespmem:s13+$0x60];
	v9 =	vmul.f32 v46, v47;
	v8 =	vadd.f32 v36, v8;
	v36 =	vmul.f32 v15, v51  }
0x60: {  	v45 =	vmov v12;
	v12 =	vld [tilespmem:s13+$0xA0];
	[tilespmem:$0x1FE50] =	vst v0;
	v0 =	vmul.f32 v34, v47;
	v47 =	vmul.f32 v14, v19  }
0x61: {  	[tilespmem:$0x1FED0] =	vst v15;
	v15 =	vld [tilespmem:$0x1FEE0];
	v19 =	vmul.f32 v26, v19;
	v26 =	vmul.f32 v34, v42;
	_ =	sdelay $0x1  }
0x62: {  	[tilespmem:$0x1FEB0] =	vst v26;
	v26 =	vld [tilespmem:$0x1FEF0]  }
0x63: {  	v10 =	vadd.f32 v47, v10;
	v47 =	vmul.f32 v13, v51  }
0x64: {  	[tilespmem:$0x1FEC0] =	vst v13;
	v61 =	vld [tilespmem:s13+$0x50]  }
0x65: {  	[tilespmem:$0x1FF00] =	vst v12;
	v13 =	vmul.f32 v12, v52;
	v12 =	vadd.f32 v47, v10;
	v10 =	vmul.f32 v15, v44;
	_ =	sdelay $0x1  }
0x66: {  	[tilespmem:$0x1FF20] =	vst v10;
	v10 =	vmul.f32 v26, v44  }
0x67: {  	[tilespmem:$0x1FE80] =	vst v14;
	v14 =	vmul.f32 v33, v42;
	v33 =	vld [tilespmem:$0x1FF60]  }
0x68: {  	v19 =	vadd.f32 v19, v35;
	v35 =	vmul.f32 v61, v51;
	[tilespmem:$0x1FF30] =	vst v10;
	v10 =	vmul.f32 v11, v30;
	_ =	sdelay $0x1  }
0x69: {  	v18 =	vadd.f32 v35, v18;
	v35 =	vmul.f32 v26, v52;
	[tilespmem:$0x1FF40] =	vst v10;
	v10 =	vmul.f32 v61, v30  }
0x6a: {  	[tilespmem:$0x1FE90] =	vst v14;
	v14 =	vld [tilespmem:s13+$0xB0];
	v51 =	vmul.f32 v15, v52  }
0x6b: {  	v34 =	vld [tilespmem:$0x1FF90];
	v18 =	vadd.f32 v35, v18;
	[tilespmem:$0x1FF50] =	vst v10;
	v10 =	vmul.f32 v16, v33  }
0x6c: {  	v8 =	vadd.f32 v51, v8;
	v51 =	vmul.f32 v60, v24;
	v60 =	vld [tilespmem:$0x1FFA0]  }
0x6d: {  	[tilespmem:$0x1FF70] =	vst v10;
	v10 =	vmul.f32 v48, v33;
	v48 =	vmul.f32 v37, v23;
	v37 =	vadd.f32 v0, v18;
	v0 =	vld [tilespmem:$0x1FFD0];
	_ =	sdelay $0x1  }
0x6e: {  	v36 =	vadd.f32 v36, v19;
	v52 =	vmul.f32 v14, v52;
	_ =	sdelay $0x1  }
0x6f: {  	v35 =	vadd.f32 v52, v36;
	v36 =	vadd.f32 v53, v8;
	v53 =	vmul.f32 v59, v34;
	v59 =	vld [tilespmem:$0x1FFB0]  }
0x70: {  	v19 =	vadd.f32 v13, v12;
	v13 =	vmul.f32 v0, v60;
	v0 =	vld [tilespmem:$0x1FFE0]  }
0x71: {  	v12 =	vmul.f32 v2, v24;
	v2 =	vld [tilespmem:$0x1FFC0];
	_ =	sdelay $0x2  }
0x72: {  	v47 =	vmul.f32 v63, v23;
	[tilespmem:$0x1FF10] =	vst v14  }
0x73: {  	v63 =	vimm.f32 $0.0e+00;
	[tilespmem:$0x1FF80] =	vst v10;
	v18 =	vmul.f32 v0, v59;
	v0 =	vimm.f32 $0.0e+00  }
0x74: {  	s15 =	simm.s32 $0x0;
	s14 =	simm.s32 $0x10;
	v52 =	vmul.f32 v17, v34;
	v61 =	vimm.f32 $0.0e+00;
	v16 =	vmul.f32 v2, v60;
	[tilespmem:$0x1FFF0] =	vst v0  }
.LBB2_2:
0x75: {  	v10 =	vld [tilespmem:$0x1FE20];
	_ =	sdelay $0x2  }
0x76: {  	v6 =	vadd.f32 v6, v19;
	_ =	sdelay $0x1  }
0x77: {  	v6 =	vadd.f32 v10, v6;
	v10 =	vld [tilespmem:$0x1FE30];
	_ =	sdelay $0x2  }
0x78: {  	v9 =	vadd.f32 v9, v35  }
0x79: {  	v2 =	vld [tilespmem:$0x1FE00]  }
0x7a: {  	v9 =	vadd.f32 v10, v9;
	v10 =	vld [tilespmem:$0x1FC40];
	_ =	sdelay $0x4  }
0x7b: {  	v19 =	vadd.f32 v2, v36;
	v36 =	vmul.f32 v10, v54;
	v10 =	vld [tilespmem:$0x1FDA0];
	_ =	sdelay $0x2  }
0x7c: {  	v2 =	vld [tilespmem:$0x1FE10];
	_ =	sdelay $0x1  }
0x7d: {  	v11 =	vadd.f32 v10, v19;
	v10 =	vld [tilespmem:$0x1FDB0];
	_ =	sdelay $0x2  }
0x7e: {  	v35 =	vadd.f32 v2, v37;
	_ =	sdelay $0x1  }
0x7f: {  	v19 =	vadd.f32 v10, v35;
	v10 =	vld [tilespmem:$0x1FC70];
	_ =	sdelay $0x4  }
0x80: {  	v26 =	vmul.f32 v10, v54;
	v10 =	vld [tilespmem:$0x1FDC0];
	_ =	sdelay $0x4  }
0x81: {  	v6 =	vadd.f32 v10, v6;
	v10 =	vld [tilespmem:$0x1FDD0];
	_ =	sdelay $0x4  }
0x82: {  	v9 =	vadd.f32 v10, v9;
	v10 =	vld [tilespmem:$0x1FC20];
	_ =	sdelay $0x4  }
0x83: {  	v14 =	vmul.f32 v10, v38;
	v10 =	vld [tilespmem:$0x1FD40];
	_ =	sdelay $0x4  }
0x84: {  	v11 =	vadd.f32 v10, v11;
	v10 =	vld [tilespmem:$0x1FD50];
	_ =	sdelay $0x4  }
0x85: {  	v15 =	vadd.f32 v10, v19;
	v10 =	vld [tilespmem:$0x1FC30];
	_ =	sdelay $0x4  }
0x86: {  	v19 =	vmul.f32 v10, v38;
	v10 =	vld [tilespmem:$0x1FD60];
	_ =	sdelay $0x4  }
0x87: {  	v6 =	vadd.f32 v10, v6;
	v10 =	vld [tilespmem:$0x1FD70];
	_ =	sdelay $0x4  }
0x88: {  	v9 =	vadd.f32 v10, v9;
	v10 =	vld [tilespmem:$0x1FC50];
	_ =	sdelay $0x4  }
0x89: {  	v37 =	vmul.f32 v10, v38;
	v10 =	vld [tilespmem:$0x1FCB0];
	_ =	sdelay $0x4  }
0x8a: {  	v10 =	vadd.f32 v10, v11;
	_ =	sdelay $0x1  }
0x8b: {  	[tilespmem:$0x1FAA0] =	vst v10;
	v10 =	vld [tilespmem:$0x1FCC0];
	_ =	sdelay $0x4  }
0x8c: {  	v10 =	vadd.f32 v10, v15;
	_ =	sdelay $0x1  }
0x8d: {  	[tilespmem:$0x1FAB0] =	vst v10;
	v10 =	vld [tilespmem:$0x1FC60];
	_ =	sdelay $0x4  }
0x8e: {  	v11 =	vmul.f32 v10, v38;
	v10 =	vld [tilespmem:$0x1FCE0];
	_ =	sdelay $0x4  }
0x8f: {  	v6 =	vadd.f32 v10, v6;
	_ =	sdelay $0x1  }
0x90: {  	[tilespmem:$0x1FAC0] =	vst v6;
	v6 =	vld [tilespmem:$0x1FD00];
	_ =	sdelay $0x4  }
0x91: {  	v6 =	vadd.f32 v6, v9;
	_ =	sdelay $0x1  }
0x92: {  	[tilespmem:$0x1FAD0] =	vst v6;
	v6 =	vadd.f32 v14, v3;
	v3 =	vld [tilespmem:$0x1FC90];
	_ =	sdelay $0x4  }
0x93: {  	v14 =	vmul.f32 v3, v54;
	v3 =	vld [tilespmem:$0x1FFF0];
	_ =	sdelay $0x4  }
0x94: {  	v11 =	vadd.f32 v11, v3;
	v3 =	vld [tilespmem:$0x1FCA0];
	_ =	sdelay $0x1  }
0x95: {  	v8 =	vld [tilespmem:$0x1FC80]  }
0x96: {  	v0 =	vld [tilespmem:$0x1FCD0];
	_ =	sdelay $0x1  }
0x97: {  	v17 =	vmul.f32 v3, v54;
	v3 =	vld [tilespmem:$0x1FD10]  }
0x98: {  	v2 =	vld [tilespmem:$0x1FCF0];
	_ =	sdelay $0x1  }
0x99: {  	v7 =	vmul.f32 v7, v59;
	v0 =	vmul.f32 v0, v8;
	v15 =	vadd.f32 v37, v63  }
0x9a: {  	v4 =	vmul.f32 v4, v8;
	v9 =	vadd.f32 v19, v61;
	v6 =	vadd.f32 v36, v6  }
0x9b: {  	v14 =	vadd.f32 v14, v15;
	v11 =	vadd.f32 v17, v11;
	v3 =	vmul.f32 v3, v8  }
0x9c: {  	v2 =	vmul.f32 v2, v8;
	v9 =	vadd.f32 v26, v9;
	v0 =	vadd.f32 v0, v6  }
0x9d: {  	v6 =	vmul.f32 v22, v59;
	v4 =	vadd.f32 v4, v11;
	v3 =	vadd.f32 v3, v14  }
0x9e: {  	v2 =	vadd.f32 v2, v9;
	v9 =	vmul.f32 v25, v60  }
0x9f: {  	v4 =	vadd.f32 v7, v4;
	v3 =	vadd.f32 v6, v3;
	v6 =	vmul.f32 v27, v60  }
0xa0: {  	v7 =	vmul.f32 v31, v34  }
0xa1: {  	v3 =	vadd.f32 v9, v3;
	v4 =	vadd.f32 v6, v4;
	v6 =	vmul.f32 v32, v34  }
0xa2: {  	v1 =	vmul.f32 v1, v24  }
0xa3: {  	v3 =	vadd.f32 v7, v3;
	v4 =	vadd.f32 v6, v4;
	v6 =	vmul.f32 v39, v24  }
0xa4: {  	v0 =	vadd.f32 v18, v0  }
0xa5: {  	v1 =	vadd.f32 v1, v3;
	v3 =	vadd.f32 v6, v4;
	v4 =	vmul.f32 v5, v23;
	v5 =	vld [tilespmem:$0x1FE80];
	_ =	sdelay $0x1  }
0xa6: {  	v0 =	vadd.f32 v16, v0  }
0xa7: {  	v21 =	vmul.f32 v21, v59;
	v7 =	vmul.f32 v41, v23  }
0xa8: {  	v0 =	vadd.f32 v52, v0  }
0xa9: {  	v2 =	vadd.f32 v21, v2;
	v6 =	vld [tilespmem:$0x1FF70];
	v1 =	vadd.f32 v7, v1;
	v5 =	vmul.f32 v5, v33  }
0xaa: {  	v0 =	vadd.f32 v12, v0  }
0xab: {  	v2 =	vadd.f32 v13, v2;
	v1 =	vadd.f32 v5, v1;
	v5 =	vld [tilespmem:$0x1FF40]  }
0xac: {  	v0 =	vadd.f32 v47, v0  }
0xad: {  	v2 =	vadd.f32 v53, v2  }
0xae: {  	v0 =	vadd.f32 v6, v0;
	v6 =	vld [tilespmem:$0x1FF80]  }
0xaf: {  	v2 =	vadd.f32 v51, v2  }
0xb0: {  	v0 =	vadd.f32 v5, v0;
	v5 =	vld [tilespmem:$0x1FF50]  }
0xb1: {  	v2 =	vadd.f32 v48, v2;
	_ =	sdelay $0x1  }
0xb2: {  	v2 =	vadd.f32 v6, v2;
	v6 =	vld [tilespmem:$0x1FEC0];
	_ =	sdelay $0x1  }
0xb3: {  	v2 =	vadd.f32 v5, v2;
	v5 =	vld [tilespmem:$0x1FF00];
	_ =	sdelay $0x2  }
0xb4: {  	v6 =	vmul.f32 v6, v30;
	_ =	sdelay $0x1  }
0xb5: {  	v1 =	vadd.f32 v6, v1;
	v6 =	vld [tilespmem:$0x1FF20];
	v5 =	vmul.f32 v5, v44;
	_ =	sdelay $0x1  }
0xb6: {  	v1 =	vadd.f32 v5, v1;
	v5 =	vld [tilespmem:$0x1FE90];
	_ =	sdelay $0x2  }
0xb7: {  	v0 =	vadd.f32 v6, v0;
	v6 =	vld [tilespmem:$0x1FF30];
	_ =	sdelay $0x1  }
0xb8: {  	v0 =	vadd.f32 v5, v0;
	v5 =	vld [tilespmem:$0x1FEB0];
	_ =	sdelay $0x2  }
0xb9: {  	v2 =	vadd.f32 v6, v2;
	v6 =	vmul.f32 v45, v42  }
0xba: {  	v3 =	vadd.f32 v4, v3;
	v4 =	vld [tilespmem:$0x1FEA0]  }
0xbb: {  	v7 =	vld [tilespmem:$0x1FE40];
	v1 =	vadd.f32 v6, v1;
	v2 =	vadd.f32 v5, v2;
	v5 =	vmul.f32 v43, v58;
	_ =	sdelay $0x1  }
0xbc: {  	v1 =	vadd.f32 v5, v1;
	v5 =	vld [tilespmem:$0x1FDE0];
	_ =	sdelay $0x1  }
0xbd: {  	v4 =	vmul.f32 v4, v33  }
0xbe: {  	v0 =	vadd.f32 v7, v0;
	v7 =	vld [tilespmem:$0x1FE50]  }
0xbf: {  	v3 =	vadd.f32 v4, v3;
	v4 =	vld [tilespmem:$0x1FED0]  }
0xc0: {  	v0 =	vadd.f32 v5, v0;
	v5 =	vld [tilespmem:$0x1FDF0];
	_ =	sdelay $0x2  }
0xc1: {  	v2 =	vadd.f32 v7, v2;
	v7 =	vmul.f32 v57, v29  }
0xc2: {  	v4 =	vmul.f32 v4, v30  }
0xc3: {  	s15 =	sadd.s32 $0x20, s15;
	v12 =	vld [tilespmem:$0x1FD80];
	v1 =	vadd.f32 v7, v1;
	v2 =	vadd.f32 v5, v2;
	v5 =	vmul.f32 v20, v55  }
0xc4: {  	s16 =	sand.u32 $0x70, s14;
	s17 =	sand.u32 $0x700, s15;
	v3 =	vadd.f32 v4, v3;
	v4 =	vld [tilespmem:$0x1FF10]  }
0xc5: {  	s16 =	sor.u32 s16, s17;
	v1 =	vadd.f32 v5, v1;
	v5 =	vld [tilespmem:$0x1FD20]  }
0xc6: {  	v9 =	vld [tilespmem:s16+$0xFC00];
	_ =	sdelay $0x1  }
0xc7: {  	s13 =	sadd.s32 $0x400, s13;
	v10 =	vld [tilespmem:s16+$0xFC80];
	v0 =	vadd.f32 v12, v0  }
0xc8: {  	v7 =	vld [tilespmem:s13+$0x1F0]  }
0xc9: {  	v4 =	vmul.f32 v4, v44;
	v12 =	vld [tilespmem:$0x1FD90];
	v0 =	vadd.f32 v5, v0  }
0xca: {  	v15 =	vbroadcast v9, $0xF;
	v17 =	vbroadcast v9, $0xB  }
0xcb: {  	v19 =	vbroadcast v9, $0xA;
	v3 =	vadd.f32 v4, v3;
	v4 =	vmul.f32 v46, v42;
	[tilespmem:$0x1FB60] =	vst v0;
	v0 =	vld [tilespmem:$0x1FD30]  }
0xcc: {  	v22 =	vbroadcast v9, $0x9;
	v27 =	vbroadcast v9, $0x8  }
0xcd: {  	v3 =	vadd.f32 v4, v3;
	v4 =	vmul.f32 v62, v58;
	v26 =	vmovc v7;
	v7 =	vbroadcast v10, $0x3  }
0xce: {  	v47 =	vbroadcast v9, $0x7;
	v48 =	vbroadcast v9, $0x6;
	v2 =	vadd.f32 v12, v2  }
0xcf: {  	v3 =	vadd.f32 v4, v3;
	v4 =	vmul.f32 v56, v29;
	[tilespmem:$0x1FFB0] =	vst v7;
	v7 =	vbroadcast v10, $0x2  }
0xd0: {  	v31 =	vbroadcast v9, $0x2;
	v12 =	vmul.f32 v49, v40;
	v0 =	vadd.f32 v0, v2  }
0xd1: {  	v3 =	vadd.f32 v4, v3;
	v4 =	vmul.f32 v50, v55;
	[tilespmem:$0x1FC80] =	vst v7;
	v7 =	vbroadcast v10, $0x1  }
0xd2: {  	v25 =	vbroadcast v9, $0x1;
	[tilespmem:$0x1FBD0] =	vst v0;
	v0 =	vadd.f32 v12, v1;
	v1 =	vbroadcast v10, $0x7  }
0xd3: {  	v8 =	vld [tilespmem:s13+$0x1C0];
	v62 =	vbroadcast v10, $0xF;
	v3 =	vadd.f32 v4, v3;
	v4 =	vmul.f32 v28, v40;
	[tilespmem:$0x1FA90] =	vst v7  }
0xd4: {  	v7 =	vbroadcast v9, $0x0;
	[tilespmem:$0x1FB40] =	vst v1;
	v1 =	vbroadcast v10, $0x6  }
0xd5: {  	v6 =	vld [tilespmem:s13+$0x1D0];
	v5 =	vbroadcast v9, $0x4;
	v12 =	vbroadcast v9, $0x5;
	[tilespmem:$0x1FB80] =	vst v0;
	v0 =	vadd.f32 v4, v3  }
0xd6: {  	v3 =	vbroadcast v9, $0xD;
	[tilespmem:$0x1FB50] =	vst v1;
	v1 =	vbroadcast v10, $0x4  }
0xd7: {  	v13 =	vld [tilespmem:s13+$0x180];
	v4 =	vbroadcast v9, $0xC;
	[tilespmem:$0x1FFF0] =	vst v0;
	v0 =	vbroadcast v9, $0xE  }
0xd8: {  	[tilespmem:$0x1FFA0] =	vst v1;
	v1 =	vbroadcast v9, $0x3;
	v9 =	vmul.f32 v8, v15  }
0xd9: {  	v14 =	vld [tilespmem:s13+$0x190]  }
0xda: {  	v24 =	vld [tilespmem:s13+$0x1A0];
	[tilespmem:$0x1FCB0] =	vst v9;
	v9 =	vmul.f32 v6, v15;
	v6 =	vmul.f32 v6, v62  }
0xdb: {  	v56 =	vld [tilespmem:s13+$0x1B0]  }
0xdc: {  	[tilespmem:$0x1FD30] =	vst v6;
	v6 =	vmul.f32 v13, v0;
	_ =	sdelay $0x1  }
0xdd: {  	[tilespmem:$0x1FD40] =	vst v6;
	v6 =	vmul.f32 v14, v0  }
0xde: {  	v43 =	vbroadcast v10, $0xE  }
0xdf: {  	[tilespmem:$0x1FD50] =	vst v6;
	v6 =	vmul.f32 v24, v0;
	v0 =	vmul.f32 v56, v0  }
0xe0: {  	v2 =	vld [tilespmem:s13+$0x140]  }
0xe1: {  	[tilespmem:$0x1FD70] =	vst v0;
	v0 =	vmul.f32 v13, v43  }
0xe2: {  	v16 =	vld [tilespmem:s13+$0x150]  }
0xe3: {  	[tilespmem:$0x1FD80] =	vst v0;
	v0 =	vmul.f32 v14, v43  }
0xe4: {  	v60 =	vld [tilespmem:s13+$0x160]  }
0xe5: {  	[tilespmem:$0x1FD90] =	vst v0;
	v0 =	vmul.f32 v2, v3  }
0xe6: {  	v61 =	vld [tilespmem:s13+$0x170]  }
0xe7: {  	[tilespmem:$0x1FDA0] =	vst v0;
	v0 =	vmul.f32 v16, v3;
	_ =	sdelay $0x1  }
0xe8: {  	[tilespmem:$0x1FDB0] =	vst v0;
	v0 =	vmul.f32 v60, v3;
	_ =	sdelay $0x1  }
0xe9: {  	v29 =	vbroadcast v10, $0xD;
	[tilespmem:$0x1FDC0] =	vst v0;
	v0 =	vmul.f32 v61, v3  }
0xea: {  	v18 =	vld [tilespmem:s13+$0x100]  }
0xeb: {  	[tilespmem:$0x1FDD0] =	vst v0;
	v0 =	vmul.f32 v2, v29  }
0xec: {  	v21 =	vld [tilespmem:s13+$0x110]  }
0xed: {  	[tilespmem:$0x1FDE0] =	vst v0;
	v0 =	vmul.f32 v16, v29  }
0xee: {  	v37 =	vld [tilespmem:s13+$0x120]  }
0xef: {  	[tilespmem:$0x1FDF0] =	vst v0;
	v0 =	vmul.f32 v18, v4  }
0xf0: {  	v63 =	vld [tilespmem:s13+$0x130]  }
0xf1: {  	[tilespmem:$0x1FE00] =	vst v0;
	v0 =	vmul.f32 v21, v4;
	_ =	sdelay $0x1  }
0xf2: {  	[tilespmem:$0x1FE10] =	vst v0;
	v0 =	vmul.f32 v37, v4;
	_ =	sdelay $0x1  }
0xf3: {  	v45 =	vbroadcast v10, $0xC;
	[tilespmem:$0x1FE20] =	vst v0;
	v0 =	vmul.f32 v63, v4  }
0xf4: {  	v57 =	vld [tilespmem:s13+$0xC0]  }
0xf5: {  	[tilespmem:$0x1FE30] =	vst v0;
	v0 =	vmul.f32 v18, v45  }
0xf6: {  	v58 =	vld [tilespmem:s13+$0xD0]  }
0xf7: {  	[tilespmem:$0x1FE40] =	vst v0;
	v0 =	vmul.f32 v21, v45;
	_ =	sdelay $0x1  }
0xf8: {  	[tilespmem:$0x1FE50] =	vst v0;
	v0 =	vmul.f32 v57, v17;
	_ =	sdelay $0x1  }
0xf9: {  	v11 =	vld [tilespmem:s13+$0x1E0];
	v42 =	vbroadcast v10, $0xB;
	[tilespmem:$0x1FC00] =	vst v0;
	v0 =	vmul.f32 v58, v17  }
0xfa: {  	v38 =	vbroadcast v10, $0x0;
	v59 =	vld [tilespmem:s13+$0x80];
	v34 =	vbroadcast v10, $0x5  }
0xfb: {  	v33 =	vbroadcast v10, $0x8;
	[tilespmem:$0x1FC10] =	vst v0;
	v0 =	vmul.f32 v57, v42  }
0xfc: {  	v30 =	vbroadcast v10, $0x9;
	v44 =	vbroadcast v10, $0xA;
	v10 =	vld [tilespmem:s13+$0x90]  }
0xfd: {  	[tilespmem:$0x1FE90] =	vst v0;
	v0 =	vmul.f32 v58, v42  }
0xfe: {  	v28 =	vmov v11;
	v11 =	vld [tilespmem:s13+$0xA0]  }
0xff: {  	v53 =	vld [tilespmem:s13+$0xFFFFFF40];
	[tilespmem:$0x1FEB0] =	vst v0;
	v0 =	vmul.f32 v59, v19  }
0x100: {  	[tilespmem:$0x1FB10] =	vst v63;
	v23 =	vld [tilespmem:s13+$0xB0]  }
0x101: {  	v51 =	vld [tilespmem:s13+$0xFFFFFFC0];
	[tilespmem:$0x1FBB0] =	vst v0;
	v0 =	vmul.f32 v10, v19  }
0x102: {  	[tilespmem:$0x1FAE0] =	vst v61;
	v52 =	vld [tilespmem:s13+$0xFFFFFFD0]  }
0x103: {  	v54 =	vld [tilespmem:s13+$0xFFFFFED0];
	[tilespmem:$0x1FBC0] =	vst v0;
	v0 =	vmul.f32 v11, v19  }
0x104: {  	v39 =	vld [tilespmem:s13+$0x40];
	[tilespmem:$0x1FCC0] =	vst v9;
	v9 =	vmul.f32 v28, v15  }
0x105: {  	v41 =	vld [tilespmem:s13+$0x0];
	[tilespmem:$0x1FBE0] =	vst v0;
	v0 =	vmul.f32 v23, v19  }
0x106: {  	[tilespmem:$0x1FCE0] =	vst v9;
	v9 =	vmul.f32 v26, v15;
	v15 =	vld [tilespmem:s13+$0x60]  }
0x107: {  	v46 =	vld [tilespmem:s13+$0xF0];
	[tilespmem:$0x1FBF0] =	vst v0;
	v0 =	vmul.f32 v59, v44  }
0x108: {  	[tilespmem:$0x1FB70] =	vst v24;
	v24 =	vld [tilespmem:s13+$0x70]  }
0x109: {  	v50 =	vld [tilespmem:s13+$0xFFFFFE90];
	[tilespmem:$0x1FF20] =	vst v0;
	v0 =	vmul.f32 v10, v44  }
0x10a: {  	[tilespmem:$0x1FB20] =	vst v28;
	v20 =	vld [tilespmem:s13+$0xE0];
	v8 =	vmul.f32 v8, v62  }
0x10b: {  	v55 =	vld [tilespmem:s13+$0x10];
	[tilespmem:$0x1FF30] =	vst v0;
	v0 =	vmul.f32 v15, v22  }
0x10c: {  	[tilespmem:$0x1FD20] =	vst v8;
	v8 =	vld [tilespmem:s13+$0x50]  }
0x10d: {  	v49 =	vld [tilespmem:s13+$0xFFFFFE80];
	[tilespmem:$0x1FB90] =	vst v0;
	v0 =	vmul.f32 v24, v22  }
0x10e: {  	[tilespmem:$0x1FB30] =	vst v26;
	v28 =	vld [tilespmem:s13+$0xFFFFFE00]  }
0x10f: {  	v26 =	vld [tilespmem:s13+$0x30];
	[tilespmem:$0x1FBA0] =	vst v0;
	v0 =	vmul.f32 v39, v30  }
0x110: {  	[tilespmem:$0x1FAF0] =	vst v56;
	v56 =	vld [tilespmem:s13+$0xFFFFFE20]  }
0x111: {  	v14 =	vld [tilespmem:s13+$0x20];
	[tilespmem:$0x1FF40] =	vst v0;
	v0 =	vmul.f32 v8, v30  }
0x112: {  	[tilespmem:$0x1FB00] =	vst v60;
	v60 =	vld [tilespmem:s13+$0xFFFFFF00]  }
0x113: {  	v61 =	vld [tilespmem:s13+$0xFFFFFF10];
	[tilespmem:$0x1FF50] =	vst v0;
	v0 =	vmul.f32 v41, v33  }
0x114: {  	[tilespmem:$0x1FCF0] =	vst v50;
	v16 =	vld [tilespmem:s13+$0xFFFFFF90]  }
0x115: {  	v3 =	vmul.f32 v55, v27;
	[tilespmem:$0x1FF70] =	vst v0;
	v0 =	vmul.f32 v55, v33;
	v55 =	vld [tilespmem:s13+$0xFFFFFE10]  }
0x116: {  	[tilespmem:$0x1FF00] =	vst v11;
	v21 =	vld [tilespmem:s13+$0xFFFFFE30]  }
0x117: {  	[tilespmem:$0x1FCD0] =	vst v49;
	v63 =	vld [tilespmem:s13+$0xFFFFFF50]  }
0x118: {  	[tilespmem:$0x1FD00] =	vst v9;
	v4 =	vld [tilespmem:s13+$0xFFFFFE40]  }
0x119: {  	v32 =	vmul.f32 v49, v31;
	v49 =	vmul.f32 v50, v31;
	[tilespmem:$0x1FC20] =	vst v28;
	v18 =	vld [tilespmem:s13+$0xFFFFFF80]  }
0x11a: {  	v50 =	vmul.f32 v28, v7;
	[tilespmem:$0x1FC50] =	vst v56;
	v57 =	vld [tilespmem:s13+$0xFFFFFE60];
	v28 =	vmul.f32 v55, v7  }
0x11b: {  	[tilespmem:$0x1FC30] =	vst v55;
	v55 =	vmul.f32 v56, v7;
	v56 =	vmul.f32 v21, v7;
	v7 =	vld [tilespmem:$0x1FAA0]  }
0x11c: {  	[tilespmem:$0x1FD60] =	vst v6;
	v19 =	vld [tilespmem:$0x1FAC0]  }
0x11d: {  	v36 =	vmul.f32 v39, v22;
	[tilespmem:$0x1FEC0] =	vst v15;
	v58 =	vld [tilespmem:s13+$0xFFFFFE70]  }
0x11e: {  	v35 =	vmul.f32 v8, v22;
	v9 =	vmul.f32 v46, v17;
	[tilespmem:$0x1FEA0] =	vst v26;
	v59 =	vld [tilespmem:s13+$0xFFFFFEC0]  }
0x11f: {  	v6 =	vmul.f32 v20, v17;
	[tilespmem:$0x1FED0] =	vst v24;
	v13 =	vmul.f32 v14, v27;
	v22 =	vld [tilespmem:s13+$0xFFFFFE50]  }
0x120: {  	[tilespmem:$0x1FE80] =	vst v14;
	v14 =	vmul.f32 v53, v12;
	v2 =	vmul.f32 v41, v27;
	v50 =	vadd.f32 v50, v7;
	v7 =	vld [tilespmem:$0x1FAB0]  }
0x121: {  	[tilespmem:$0x1FC40] =	vst v4;
	v17 =	vmul.f32 v26, v27;
	v26 =	vmul.f32 v16, v48;
	v55 =	vadd.f32 v55, v19;
	v19 =	vld [tilespmem:$0x1FAD0]  }
0x122: {  	v27 =	vmul.f32 v4, v25;
	v4 =	vld [tilespmem:s13+$0xFFFFFEA0];
	[tilespmem:$0x1FC90] =	vst v57;
	v57 =	vmul.f32 v57, v25  }
0x123: {  	v11 =	vmul.f32 v18, v48;
	v15 =	vmul.f32 v60, v5;
	[tilespmem:$0x1FF80] =	vst v0;
	v0 =	vld [tilespmem:s13+$0xFFFFFEB0]  }
0x124: {  	v24 =	vmul.f32 v61, v5;
	[tilespmem:$0x1FC70] =	vst v22;
	v40 =	vmul.f32 v22, v25;
	v22 =	vld [tilespmem:s13+$0xFFFFFEE0]  }
0x125: {  	v39 =	vmul.f32 v59, v1;
	v50 =	vadd.f32 v27, v50;
	v28 =	vadd.f32 v28, v7;
	v7 =	vld [tilespmem:s13+$0xFFFFFEF0]  }
0x126: {  	v55 =	vadd.f32 v57, v55;
	v56 =	vadd.f32 v56, v19;
	v19 =	vmul.f32 v58, v25;
	v27 =	vld [tilespmem:s13+$0xFFFFFF30]  }
0x127: {  	v41 =	vmul.f32 v54, v1;
	v25 =	vld [tilespmem:s13+$0xFFFFFF20];
	v50 =	vadd.f32 v32, v50;
	v28 =	vadd.f32 v40, v28  }
0x128: {  	v57 =	vmul.f32 v0, v31;
	v56 =	vadd.f32 v19, v56;
	v32 =	vld [tilespmem:s13+$0xFFFFFF70];
	v40 =	vmul.f32 v4, v31  }
0x129: {  	v50 =	vadd.f32 v39, v50;
	v31 =	vld [tilespmem:s13+$0xFFFFFF60];
	v28 =	vadd.f32 v49, v28;
	v49 =	vmul.f32 v22, v1  }
0x12a: {  	[tilespmem:$0x1FD10] =	vst v4;
	v40 =	vadd.f32 v40, v55;
	v55 =	vadd.f32 v57, v56;
	v56 =	vmul.f32 v7, v1;
	v1 =	vld [tilespmem:s13+$0xFFFFFFA0]  }
0x12b: {  	v39 =	vld [tilespmem:s13+$0xFFFFFFB0];
	v4 =	vmovc v0;
	v0 =	vmul.f32 v27, v5;
	v15 =	vadd.f32 v15, v50;
	v28 =	vadd.f32 v41, v28  }
0x12c: {  	v57 =	vmul.f32 v25, v5;
	v5 =	vld [tilespmem:s13+$0xFFFFFFF0];
	v40 =	vadd.f32 v49, v40;
	v49 =	vadd.f32 v56, v55  }
0x12d: {  	[tilespmem:$0x1FF10] =	vst v23;
	v23 =	vmul.f32 v63, v12;
	v14 =	vadd.f32 v14, v15;
	v41 =	vld [tilespmem:s13+$0xFFFFFFE0];
	v24 =	vadd.f32 v24, v28  }
0x12e: {  	v28 =	vmul.f32 v31, v12;
	v19 =	vadd.f32 v57, v40;
	v49 =	vadd.f32 v0, v49;
	v0 =	vld [tilespmem:$0x1FB40]  }
0x12f: {  	v10 =	vmul.f32 v52, v47;
	v15 =	vadd.f32 v23, v24;
	v23 =	vmul.f32 v1, v48  }
0x130: {  	v8 =	vmul.f32 v51, v47;
	v11 =	vadd.f32 v11, v14;
	v24 =	vadd.f32 v28, v19  }
0x131: {  	v12 =	vmul.f32 v32, v12;
	v28 =	vmul.f32 v39, v48;
	v14 =	vadd.f32 v26, v15  }
0x132: {  	v15 =	vmul.f32 v41, v47;
	v19 =	vadd.f32 v23, v24;
	v24 =	vmul.f32 v5, v47  }
0x133: {  	v47 =	vmul.f32 v51, v0;
	v23 =	vmov v0;
	v48 =	vmul.f32 v52, v0;
	v0 =	vld [tilespmem:$0x1FB90]  }
0x134: {  	v8 =	vadd.f32 v8, v11;
	v11 =	vadd.f32 v15, v19  }
0x135: {  	v12 =	vadd.f32 v12, v49  }
0x136: {  	v11 =	vadd.f32 v13, v11  }
0x137: {  	v12 =	vadd.f32 v28, v12  }
0x138: {  	v11 =	vadd.f32 v0, v11;
	v0 =	vld [tilespmem:$0x1FBA0]  }
0x139: {  	v10 =	vadd.f32 v10, v14;
	v14 =	vadd.f32 v24, v12;
	_ =	sdelay $0x1  }
0x13a: {  	v14 =	vadd.f32 v17, v14  }
0x13b: {  	v24 =	vld [tilespmem:$0x1FB50]  }
0x13c: {  	v14 =	vadd.f32 v0, v14;
	v0 =	vld [tilespmem:$0x1FFA0];
	_ =	sdelay $0x4  }
0x13d: {  	v51 =	vmul.f32 v16, v24;
	v16 =	vmul.f32 v60, v0;
	v60 =	vmov v0;
	v0 =	vld [tilespmem:$0x1FBB0]  }
0x13e: {  	v8 =	vadd.f32 v2, v8;
	_ =	sdelay $0x1  }
0x13f: {  	v8 =	vadd.f32 v36, v8;
	_ =	sdelay $0x1  }
0x140: {  	v8 =	vadd.f32 v0, v8;
	v0 =	vld [tilespmem:$0x1FBC0]  }
0x141: {  	v10 =	vadd.f32 v3, v10;
	_ =	sdelay $0x1  }
0x142: {  	v10 =	vadd.f32 v35, v10;
	_ =	sdelay $0x1  }
0x143: {  	v10 =	vadd.f32 v0, v10;
	v0 =	vld [tilespmem:$0x1FBE0];
	_ =	sdelay $0x4  }
0x144: {  	v19 =	vadd.f32 v0, v11;
	v0 =	vld [tilespmem:$0x1FBF0];
	_ =	sdelay $0x4  }
0x145: {  	v35 =	vadd.f32 v0, v14;
	v0 =	vld [tilespmem:$0x1FFB0];
	_ =	sdelay $0x2  }
0x146: {  	[tilespmem:$0x1FC60] =	vst v21;
	v21 =	vmov v54;
	v54 =	vld [tilespmem:$0x1FA90]  }
0x147: {  	[tilespmem:$0x1FCA0] =	vst v58;
	v58 =	vmov v45;
	v45 =	vmov v20;
	v20 =	vld [tilespmem:$0x1FB70]  }
0x148: {  	v12 =	vmul.f32 v18, v24;
	v18 =	vmul.f32 v59, v0;
	v59 =	vmov v0;
	v0 =	vld [tilespmem:$0x1FC00]  }
0x149: {  	v50 =	vld [tilespmem:$0x1FAF0]  }
0x14a: {  	v56 =	vld [tilespmem:$0x1FAE0]  }
0x14b: {  	v57 =	vld [tilespmem:$0x1FB00]  }
0x14c: {  	v40 =	vmov v62;
	v62 =	vld [tilespmem:$0x1FB10]  }
0x14d: {  	p0 =	sne.s32 s14, $0x3D0;
	v36 =	vadd.f32 v0, v8;
	v0 =	vld [tilespmem:$0x1FC10]  }
.Ltmp0:
0x14e: {  	v49 =	vld [tilespmem:$0x1FB20];
	(pc) =	sbr.rel @p0 .LBB2_2-.Ltmp0, $4  }
0x14f: {  	v28 =	vld [tilespmem:$0x1FB30]  }
0x150: {  	v52 =	vmul.f32 v53, v34;
	v53 =	vmul.f32 v63, v34;
	v63 =	vld [tilespmem:$0x1FB80]  }
0x151: {  	v3 =	vld [tilespmem:$0x1FB60]  }
0x152: {  	s14 =	sadd.s32 $0x10, s14;
	v55 =	vmovc v43;
	v43 =	vmov v37;
	v13 =	vmul.f32 v61, v60;
	v61 =	vld [tilespmem:$0x1FBD0];
	v37 =	vadd.f32 v0, v10  }
0x153: {  	v0 =	vld [tilespmem:$0x1FE00];
	_ =	sdelay $0x1  }
0x154: {  	v11 =	vld [tilespmem:$0x1FE30]  }
0x155: {  	v14 =	vld [tilespmem:$0x1FDA0]  }
0x156: {  	v15 =	vld [tilespmem:$0x1FDB0]  }
0x157: {  	v8 =	vadd.f32 v9, v35;
	v35 =	vadd.f32 v0, v36;
	v36 =	vld [tilespmem:$0x1FE10]  }
0x158: {  	v17 =	vld [tilespmem:$0x1FDC0]  }
0x159: {  	v6 =	vadd.f32 v6, v19;
	v19 =	vld [tilespmem:$0x1FDD0]  }
0x15a: {  	v26 =	vld [tilespmem:$0x1FD40]  }
0x15b: {  	v8 =	vadd.f32 v11, v8;
	v11 =	vld [tilespmem:$0x1FCB0]  }
0x15c: {  	v10 =	vadd.f32 v36, v37;
	v37 =	vld [tilespmem:$0x1FE20]  }
0x15d: {  	v9 =	vadd.f32 v14, v35;
	v35 =	vld [tilespmem:$0x1FD50]  }
0x15e: {  	v14 =	vld [tilespmem:$0x1FC20]  }
0x15f: {  	v8 =	vadd.f32 v19, v8;
	v19 =	vld [tilespmem:$0x1FC50]  }
0x160: {  	v9 =	vadd.f32 v26, v9;
	v26 =	vld [tilespmem:$0x1FC60]  }
0x161: {  	v36 =	vld [tilespmem:$0x1FD60];
	v6 =	vadd.f32 v37, v6  }
0x162: {  	v37 =	vld [tilespmem:$0x1FD70]  }
0x163: {  	v6 =	vadd.f32 v17, v6;
	v17 =	vld [tilespmem:$0x1FC30]  }
0x164: {  	v10 =	vadd.f32 v15, v10;
	v15 =	vld [tilespmem:$0x1FCC0];
	_ =	sdelay $0x1  }
0x165: {  	v6 =	vadd.f32 v36, v6;
	v36 =	vld [tilespmem:$0x1FD00]  }
0x166: {  	v2 =	vld [tilespmem:$0x1FC90];
	v9 =	vadd.f32 v11, v9;
	v10 =	vadd.f32 v35, v10  }
0x167: {  	v11 =	vmul.f32 v14, v38;
	v8 =	vadd.f32 v37, v8;
	v37 =	vld [tilespmem:$0x1FC40];
	v14 =	vmul.f32 v17, v38  }
0x168: {  	v10 =	vadd.f32 v15, v10;
	v15 =	vmul.f32 v19, v38;
	v17 =	vmul.f32 v26, v38;
	v38 =	vld [tilespmem:$0x1FFF0]  }
0x169: {  	v14 =	vadd.f32 v14, v61;
	v61 =	vld [tilespmem:$0x1FC70]  }
0x16a: {  	v8 =	vadd.f32 v36, v8;
	v36 =	vld [tilespmem:$0x1FCA0];
	_ =	sdelay $0x2  }
0x16b: {  	v35 =	vld [tilespmem:$0x1FCE0];
	v15 =	vadd.f32 v15, v63  }
0x16c: {  	v63 =	vmul.f32 v2, v54;
	v19 =	vmul.f32 v37, v54;
	v17 =	vadd.f32 v17, v38;
	v38 =	vld [tilespmem:$0x1FC80]  }
0x16d: {  	v0 =	vmul.f32 v61, v54;
	v37 =	vmul.f32 v36, v54;
	v54 =	vld [tilespmem:$0x1FCD0]  }
0x16e: {  	v61 =	vld [tilespmem:$0x1FCF0];
	_ =	sdelay $0x1  }
0x16f: {  	v11 =	vadd.f32 v11, v3  }
0x170: {  	v7 =	vmul.f32 v7, v59;
	v6 =	vadd.f32 v35, v6  }
0x171: {  	v35 =	vmovc v24;
	v15 =	vadd.f32 v63, v15;
	v63 =	vld [tilespmem:$0x1FD10];
	v24 =	vmul.f32 v22, v59;
	v11 =	vadd.f32 v19, v11  }
0x172: {  	v22 =	vld [tilespmem:$0x1FE50];
	v14 =	vadd.f32 v0, v14;
	v0 =	vmul.f32 v54, v38;
	v2 =	vmul.f32 v61, v38  }
0x173: {  	v26 =	vmov v23;
	v23 =	vmul.f32 v21, v59;
	v1 =	vmul.f32 v1, v35;
	v59 =	vld [tilespmem:$0x1FF40]  }
0x174: {  	v39 =	vmul.f32 v39, v35;
	v35 =	vld [tilespmem:$0xF830];
	v0 =	vadd.f32 v0, v11;
	v2 =	vadd.f32 v2, v14  }
0x175: {  	v41 =	vmul.f32 v41, v26;
	v5 =	vmul.f32 v5, v26;
	v26 =	vld [tilespmem:$0x1FDE0]  }
0x176: {  	v25 =	vmul.f32 v25, v60;
	v19 =	vld [tilespmem:$0x1FE40];
	v0 =	vadd.f32 v18, v0;
	v2 =	vadd.f32 v23, v2  }
0x177: {  	v36 =	vmul.f32 v27, v60;
	v60 =	vld [tilespmem:$0x1FF50];
	v3 =	vmul.f32 v63, v38  }
0x178: {  	v27 =	vld [tilespmem:$0x1FDF0];
	v0 =	vadd.f32 v16, v0;
	v2 =	vadd.f32 v13, v2  }
0x179: {  	v17 =	vadd.f32 v37, v17;
	v37 =	vmul.f32 v31, v34;
	v31 =	vld [tilespmem:$0xF820];
	v3 =	vadd.f32 v3, v15  }
0x17a: {  	v63 =	vld [tilespmem:$0x1FF10];
	v0 =	vadd.f32 v52, v0;
	v2 =	vadd.f32 v53, v2  }
0x17b: {  	v61 =	vld [tilespmem:$0x1FF00];
	v3 =	vadd.f32 v24, v3  }
0x17c: {  	v4 =	vmul.f32 v4, v38;
	v0 =	vadd.f32 v12, v0;
	v2 =	vadd.f32 v51, v2;
	v51 =	vld [tilespmem:$0x1FF70]  }
0x17d: {  	v11 =	vld [tilespmem:$0x1FF20];
	v3 =	vadd.f32 v25, v3  }
0x17e: {  	v4 =	vadd.f32 v4, v17;
	v0 =	vadd.f32 v47, v0;
	v47 =	vld [tilespmem:$0x1FE80]  }
0x17f: {  	v3 =	vadd.f32 v37, v3;
	v52 =	vld [tilespmem:$0x1FF80]  }
0x180: {  	v4 =	vadd.f32 v7, v4;
	v53 =	vld [tilespmem:$0x1FEC0]  }
0x181: {  	v38 =	vmul.f32 v32, v34;
	v15 =	vld [tilespmem:$0x1FE90];
	v1 =	vadd.f32 v1, v3;
	v0 =	vadd.f32 v51, v0  }
0x182: {  	v17 =	vmul.f32 v43, v58;
	v4 =	vadd.f32 v36, v4;
	v12 =	vld [tilespmem:$0x1FF30];
	v2 =	vadd.f32 v48, v2  }
0x183: {  	v1 =	vadd.f32 v41, v1;
	v48 =	vld [tilespmem:$0x1FEA0];
	v3 =	vmul.f32 v47, v33;
	v0 =	vadd.f32 v59, v0  }
0x184: {  	v54 =	vld [tilespmem:$0x1FED0];
	v24 =	vmul.f32 v56, v29;
	v4 =	vadd.f32 v38, v4;
	v2 =	vadd.f32 v52, v2  }
0x185: {  	v34 =	vld [tilespmem:$0x1FD90];
	v1 =	vadd.f32 v3, v1;
	v3 =	vmul.f32 v53, v30;
	v0 =	vadd.f32 v11, v0  }
0x186: {  	v23 =	vmul.f32 v57, v29;
	v16 =	vld [tilespmem:$0x1FEB0];
	v4 =	vadd.f32 v39, v4;
	v2 =	vadd.f32 v60, v2  }
0x187: {  	v25 =	vld [tilespmem:$0xF800];
	v1 =	vadd.f32 v3, v1;
	v3 =	vmul.f32 v61, v44;
	v0 =	vadd.f32 v15, v0  }
0x188: {  	v29 =	vld [tilespmem:$0xF810];
	v4 =	vadd.f32 v5, v4;
	v5 =	vmul.f32 v48, v33;
	v2 =	vadd.f32 v12, v2  }
0x189: {  	v13 =	vmul.f32 v45, v42;
	v1 =	vadd.f32 v3, v1;
	v21 =	vadd.f32 v19, v0;
	v0 =	vld.msk [tilespmem:$0x103E0], $0xff  }
0x18a: {  	v14 =	vmul.f32 v46, v42;
	v42 =	vld [tilespmem:$0xF840];
	v4 =	vadd.f32 v5, v4;
	v5 =	vmul.f32 v54, v30  }
0x18b: {  	v32 =	vmul.f32 v50, v55;
	v2 =	vadd.f32 v16, v2;
	v3 =	vadd.f32 v13, v1;
	v1 =	vld.msk [tilespmem:$0x10360], $0xff  }
0x18c: {  	v18 =	vmul.f32 v62, v58;
	v45 =	vld [tilespmem:$0xF850];
	v4 =	vadd.f32 v5, v4;
	v5 =	vmul.f32 v63, v44  }
0x18d: {  	v36 =	vmul.f32 v49, v40;
	v38 =	vmul.f32 v28, v40;
	v33 =	vld [tilespmem:$0x1FD80];
	v2 =	vadd.f32 v22, v2  }
0x18e: {  	v47 =	vld [tilespmem:$0xF860];
	v30 =	vmul.f32 v20, v55;
	v4 =	vadd.f32 v5, v4;
	v44 =	vbroadcast v0, $0x0  }
0x18f: {  	v48 =	vld [tilespmem:$0xF870];
	v2 =	vadd.f32 v27, v2;
	v55 =	vbroadcast v0, $0x1;
	v28 =	vbroadcast v0, $0x2  }
0x190: {  	v53 =	vld [tilespmem:$0xF880];
	v4 =	vadd.f32 v14, v4;
	v37 =	vbroadcast v1, $0x0;
	v12 =	vmul.f32 v25, v44  }
0x191: {  	v56 =	vld [tilespmem:$0xF890];
	v11 =	vadd.f32 v26, v21;
	v13 =	vmul.f32 v29, v44;
	v7 =	vmul.f32 v31, v44  }
0x192: {  	v40 =	vld [tilespmem:$0x1FD30];
	v2 =	vadd.f32 v34, v2;
	v49 =	vbroadcast v1, $0x1;
	v51 =	vmul.f32 v35, v44  }
0x193: {  	v4 =	vadd.f32 v18, v4;
	v59 =	vmul.f32 v42, v55;
	v60 =	vmul.f32 v45, v55  }
0x194: {  	v39 =	vld [tilespmem:$0x1FD20];
	v11 =	vadd.f32 v33, v11;
	v62 =	vmul.f32 v47, v55;
	v63 =	vbroadcast v1, $0x2  }
0x195: {  	v4 =	vadd.f32 v24, v4;
	v24 =	vmul.f32 v48, v55;
	v33 =	vmul.f32 v53, v28  }
0x196: {  	v3 =	vadd.f32 v17, v3;
	v34 =	vmul.f32 v56, v28;
	v55 =	vbroadcast v0, $0x4  }
0x197: {  	v58 =	vld [tilespmem:$0xF8A0];
	v2 =	vadd.f32 v40, v2;
	v21 =	vbroadcast v1, $0x5;
	v41 =	vmul.f32 v25, v37  }
0x198: {  	v61 =	vld [tilespmem:$0xF8B0];
	v3 =	vadd.f32 v23, v3;
	v43 =	vmul.f32 v29, v37;
	v46 =	vmul.f32 v31, v37  }
0x199: {  	v11 =	vadd.f32 v39, v11;
	v5 =	vmul.f32 v35, v37;
	v52 =	vmul.f32 v42, v49  }
0x19a: {  	v3 =	vadd.f32 v30, v3;
	v54 =	vmul.f32 v45, v49;
	v57 =	vmul.f32 v47, v49  }
0x19b: {  	v4 =	vadd.f32 v32, v4;
	v16 =	vmul.f32 v48, v49;
	v25 =	vmul.f32 v53, v63  }
0x19c: {  	v26 =	vld [tilespmem:$0xF8C0];
	v50 =	vadd.f32 v12, v11;
	v27 =	vmul.f32 v56, v63;
	v30 =	vmul.f32 v58, v63  }
0x19d: {  	v40 =	vld [tilespmem:$0xF900];
	v2 =	vadd.f32 v13, v2;
	v31 =	vmul.f32 v61, v63;
	v37 =	vbroadcast v1, $0x3  }
0x19e: {  	v42 =	vbroadcast v0, $0x3;
	v3 =	vadd.f32 v36, v3;
	v4 =	vadd.f32 v38, v4  }
0x19f: {  	v32 =	vld [tilespmem:$0xF8E0];
	v36 =	vmul.f32 v58, v28;
	v9 =	vadd.f32 v41, v9;
	v10 =	vadd.f32 v43, v10  }
0x1a0: {  	v38 =	vmul.f32 v61, v28;
	v6 =	vadd.f32 v46, v6;
	v5 =	vadd.f32 v5, v8  }
0x1a1: {  	v29 =	vld [tilespmem:$0xF8D0];
	v8 =	vadd.f32 v59, v50;
	v39 =	vmul.f32 v26, v37;
	v46 =	vmul.f32 v26, v42  }
0x1a2: {  	v35 =	vld [tilespmem:$0xF8F0];
	v2 =	vadd.f32 v60, v2;
	v50 =	vbroadcast v1, $0x4;
	v60 =	vmul.f32 v40, v55  }
0x1a3: {  	v45 =	vld [tilespmem:$0xF920];
	v26 =	vbroadcast v0, $0x5;
	v3 =	vadd.f32 v7, v3;
	v4 =	vadd.f32 v51, v4  }
0x1a4: {  	v48 =	vld [tilespmem:$0xF930];
	v7 =	vadd.f32 v52, v9;
	v10 =	vadd.f32 v54, v10;
	v44 =	vmul.f32 v32, v37  }
0x1a5: {  	v53 =	vld [tilespmem:$0xF940];
	v6 =	vadd.f32 v57, v6;
	v49 =	vmul.f32 v32, v42;
	v52 =	vmul.f32 v40, v50  }
0x1a6: {  	v56 =	vld [tilespmem:$0xF950];
	v5 =	vadd.f32 v16, v5;
	v40 =	vbroadcast v0, $0x6;
	v0 =	vbroadcast v0, $0x7  }
0x1a7: {  	v8 =	vadd.f32 v33, v8;
	v41 =	vmul.f32 v29, v37;
	v18 =	vmul.f32 v35, v37  }
0x1a8: {  	v2 =	vadd.f32 v34, v2;
	v47 =	vmul.f32 v29, v42;
	v51 =	vmul.f32 v35, v42  }
0x1a9: {  	v3 =	vadd.f32 v62, v3;
	v57 =	vmul.f32 v45, v50;
	v58 =	vmul.f32 v48, v50  }
0x1aa: {  	v43 =	vld [tilespmem:$0xF910];
	v4 =	vadd.f32 v24, v4;
	v63 =	vmul.f32 v45, v55;
	v22 =	vmul.f32 v48, v55  }
0x1ab: {  	v23 =	vmul.f32 v53, v21;
	v32 =	vmul.f32 v56, v26;
	v7 =	vadd.f32 v25, v7  }
0x1ac: {  	v59 =	vld [tilespmem:$0xF960];
	v35 =	vbroadcast v1, $0x6;
	v10 =	vadd.f32 v27, v10;
	v6 =	vadd.f32 v30, v6  }
0x1ad: {  	v1 =	vbroadcast v1, $0x7;
	v5 =	vadd.f32 v31, v5;
	v8 =	vadd.f32 v46, v8  }
0x1ae: {  	v33 =	vld [tilespmem:$0xF9B0];
	v25 =	vmul.f32 v56, v21;
	v31 =	vmul.f32 v53, v26;
	v3 =	vadd.f32 v36, v3  }
0x1af: {  	v4 =	vadd.f32 v38, v4;
	v2 =	vadd.f32 v47, v2;
	v54 =	vmul.f32 v43, v50  }
0x1b0: {  	v62 =	vld [tilespmem:$0xF970];
	v61 =	vmul.f32 v43, v55;
	v7 =	vadd.f32 v39, v7;
	v10 =	vadd.f32 v41, v10  }
0x1b1: {  	v24 =	vld [tilespmem:$0xF980];
	v28 =	vmul.f32 v59, v21;
	v6 =	vadd.f32 v44, v6;
	v5 =	vadd.f32 v18, v5  }
0x1b2: {  	v27 =	vld [tilespmem:$0xF990];
	v34 =	vmul.f32 v59, v26;
	v8 =	vadd.f32 v60, v8;
	v3 =	vadd.f32 v49, v3  }
0x1b3: {  	v30 =	vld [tilespmem:$0xF9A0];
	v4 =	vadd.f32 v51, v4;
	v2 =	vadd.f32 v61, v2;
	v43 =	vmul.f32 v33, v35  }
0x1b4: {  	v49 =	vmul.f32 v33, v40;
	v7 =	vadd.f32 v52, v7;
	v10 =	vadd.f32 v54, v10  }
0x1b5: {  	v38 =	vld [tilespmem:$0xF9C0];
	v6 =	vadd.f32 v57, v6;
	v5 =	vadd.f32 v58, v5;
	v29 =	vmul.f32 v62, v21  }
0x1b6: {  	v47 =	vld [tilespmem:$0xF9F0];
	v8 =	vadd.f32 v31, v8;
	v36 =	vmul.f32 v62, v26;
	v37 =	vmul.f32 v24, v35  }
0x1b7: {  	v41 =	vld [tilespmem:$0xF9D0];
	v45 =	vmul.f32 v24, v40;
	v3 =	vadd.f32 v63, v3;
	v4 =	vadd.f32 v22, v4  }
0x1b8: {  	v44 =	vld [tilespmem:$0xF9E0];
	v2 =	vadd.f32 v32, v2;
	v39 =	vmul.f32 v27, v35;
	v42 =	vmul.f32 v30, v35  }
0x1b9: {  	v46 =	vmul.f32 v27, v40;
	v7 =	vadd.f32 v23, v7;
	v10 =	vadd.f32 v25, v10  }
0x1ba: {  	v48 =	vmul.f32 v30, v40;
	v6 =	vadd.f32 v28, v6;
	v5 =	vadd.f32 v29, v5  }
0x1bb: {  	v8 =	vadd.f32 v45, v8;
	v50 =	vmul.f32 v38, v1;
	v53 =	vmul.f32 v38, v0  }
0x1bc: {  	v3 =	vadd.f32 v34, v3;
	v4 =	vadd.f32 v36, v4;
	v51 =	vmul.f32 v41, v1  }
0x1bd: {  	v2 =	vadd.f32 v46, v2;
	v52 =	vmul.f32 v44, v1;
	v1 =	vmul.f32 v47, v1  }
0x1be: {  	v54 =	vmul.f32 v41, v0;
	v7 =	vadd.f32 v37, v7;
	v10 =	vadd.f32 v39, v10  }
0x1bf: {  	v58 =	vmul.f32 v44, v0;
	v6 =	vadd.f32 v42, v6;
	v56 =	vadd.f32 v53, v8  }
0x1c0: {  	v0 =	vmul.f32 v47, v0;
	v5 =	vadd.f32 v43, v5;
	v2 =	vadd.f32 v54, v2  }
0x1c1: {  	v3 =	vadd.f32 v48, v3;
	v7 =	vadd.f32 v50, v7;
	v60 =	vmul.f32 $3.162277490e-02, v56  }
0x1c2: {  	v4 =	vadd.f32 v49, v4;
	v10 =	vadd.f32 v51, v10;
	v2 =	vmul.f32 $3.162277490e-02, v2  }
0x1c3: {  	v6 =	vadd.f32 v52, v6;
	v55 =	vmul.f32 $3.162277490e-02, v7;
	v61 =	vadd.f32 $1.000000000e+00, v60  }
0x1c4: {  	v1 =	vadd.f32 v1, v5;
	v57 =	vmul.f32 $3.162277490e-02, v10;
	v62 =	vadd.f32 $1.000000000e+00, v2  }
0x1c5: {  	v3 =	vadd.f32 v58, v3;
	v6 =	vmul.f32 $3.162277490e-02, v6;
	v5 =	vadd.f32 $1.000000000e+00, v55;
	[tilespmem:$0x10480] =	vst v61  }
0x1c6: {  	v0 =	vadd.f32 v0, v4;
	v1 =	vmul.f32 $3.162277490e-02, v1;
	v8 =	vadd.f32 $1.000000000e+00, v57;
	[tilespmem:$0x10490] =	vst v62  }
0x1c7: {  	v3 =	vmul.f32 $3.162277490e-02, v3;
	v59 =	vadd.f32 $1.000000000e+00, v6;
	[tilespmem:$0x10400] =	vst v5  }
0x1c8: {  	v0 =	vmul.f32 $3.162277490e-02, v0;
	v1 =	vadd.f32 $1.000000000e+00, v1;
	[tilespmem:$0x10410] =	vst v8  }
0x1c9: {  	v63 =	vadd.f32 $1.000000000e+00, v3;
	[tilespmem:$0x10420] =	vst v59  }
0x1ca: {  	s12 =	sadd.s32 $0x1, s12;
	v0 =	vadd.f32 $1.000000000e+00, v0;
	[tilespmem:$0x10430] =	vst v1  }
0x1cb: {  	p0 =	sne.s32 s12, s6;
	[tilespmem:$0x104A0] =	vst v63  }
.Ltmp1:
0x1cc: {  	[tilespmem:$0x104B0] =	vst v0;
	(pc) =	sbr.rel @p0 .LBB2_1-.Ltmp1, $4  }
0x1cd: {  	[hbm4b:s5+s2] =	stream.linear.scatter [tilespmem:s11], [sflag:$0x1], $0x100, $0x38;
	[tilespmem:$0x10500] =	vst v63  }
0x1ce: {  	_ =	swait.ge [sflag:s7], $0x100  }
0x1cf: {  	[sflag:s7] =	ssyncset.done $0x0  }
0x1d0: {  	[sflag:s7] =	ssyncadd.s32 $0xFFFFFF00  }
0x1d1: {  	_ =	sfence.sel $0x180000  }
0x1d2: {  	[bflag:$0x0] =	sbarrier.arrive $0xFFFF  }
0x1d3: {  	p0 =	sne.s32 s1, $0x0;
	_ =	strace $0x90000047  }
0x1d4: {  	s0 =	sadd.s32 @!p0 $0x100000, s0;
	[bflag:$0x2] =	sbarrier.arrive $0xFFFF  }
0x1d5: {  	[sflag:s0] =	ssyncadd.tile.s32 @!p0 $0x1;
	_ =	shalt  }
.Lfunc_end2:
_tile_overlayer_lowered:
.L_overlay_start_2:
0x1d6: {  	(tag) =	ssettag $0x2  }
0x1d7: {  	s0 =	rddreg [dreg:$0x0];
	s2 =	stileid.u32  }
0x1d8: {  	s1 =	rddreg [dreg:$0x1];
	p0 =	sne.s32 s2, $0x0  }
0x1d9: {  	s3 =	rddreg [dreg:$0x2];
	[bflag:$0x3] =	sbarrier.arrive $0xFFFF;
	s2 =	simm.s32 @!p0 $0x1C01  }
0x1da: {  	[timem:s3], [sflag:s2] =	dma.local @!p0 [hbm:s0], s1  }
0x1db: {  	s0 =	simm.s32 @!p0 $0x1  }
0x1dc: {  	_ =	swait.ge @!p0 [sflag:s0], s1  }
0x1dd: {  	s1 =	ssub.s32 @!p0 $0x0, s1;
	[sflag:s0] =	ssyncset.done @!p0 $0x0  }
0x1de: {  	[sflag:s0] =	ssyncadd.s32 @!p0 s1  }
0x1df: {  	[bflag:$0x3] =	sbarrier.arrive $0xFFFF  }
0x1e0: {  	_ =	shalt  }

</sc_bundles>
